<compile_context>
chip_gen: v7x
topology: tpu7x:2x2x1
jax: 0.10.2.dev20260603
libtpu: 0.0.44.dev20260713+nightly
codegen_flags: <defaults>
</compile_context>

<pallas_src>
import functools
import math

import jax
import jax.numpy as jnp
import numpy as np
from jax import lax
from jax.experimental import pallas as pl
from jax.experimental.pallas import tpu as pltpu
from jax.experimental.pallas import tpu_sc as plsc

NUM_EMB = 1000000
D = 64
B = 4096
L = 200
ROWS = B * L
NC = 2
NS = 16
NW = NC * NS
SEQ_PER_W = B // NW
PER_W = SEQ_PER_W * L
HALF = L // 2


def _pos_encoding() -> np.ndarray:
    position = np.arange(L, dtype=np.float32)[:, None]
    div_term = np.exp(np.arange(0, D, 2, dtype=np.float32) * (-math.log(10000.0) / D))
    pe = np.zeros((L, D), dtype=np.float32)
    pe[:, 0::2] = np.sin(position * div_term)
    pe[:, 1::2] = np.cos(position * div_term)
    return pe.reshape(HALF, 2 * D)


_PE2 = _pos_encoding()

_mesh = plsc.VectorSubcoreMesh(core_axis_name="c", subcore_axis_name="s")


@functools.partial(
    pl.kernel,
    mesh=_mesh,
    out_type=jax.ShapeDtypeStruct((B, L, D), jnp.float32),
    scratch_types=[
        pltpu.VMEM((2, L, 2 * D), jnp.float32),
        pltpu.VMEM((1, L, D), jnp.float32),
        pltpu.VMEM((HALF, 2 * D), jnp.float32),
        pltpu.VMEM((PER_W,), jnp.int32),
        pltpu.SemaphoreType.DMA((2,)),
        pltpu.SemaphoreType.DMA,
    ],
)
def _embed_pe(idx_hbm, w2_hbm, pe_hbm, out_hbm,
              bufg_v, bufs_v, pe_v, idx_v, gsem, ssem):
    wid = lax.axis_index("s") * NC + lax.axis_index("c")
    seq0 = wid * SEQ_PER_W
    pltpu.sync_copy(pe_hbm, pe_v)
    pltpu.sync_copy(idx_hbm.at[pl.ds(seq0 * L, PER_W)], idx_v)

    def issue(c, slot):
        pltpu.async_copy(w2_hbm.at[idx_v.at[pl.ds(c * L, 104)]],
                         bufg_v.at[slot].at[pl.ds(0, 104)], gsem.at[slot])
        pltpu.async_copy(w2_hbm.at[idx_v.at[pl.ds(c * L + 104, 96)]],
                         bufg_v.at[slot].at[pl.ds(104, 96)], gsem.at[slot])

    issue(0, 0)

    def chunk(c, slot, nxt):
        @pl.when(c + 1 < SEQ_PER_W)
        def _():
            issue(c + 1, nxt)

        pltpu.make_async_copy(
            w2_hbm.at[idx_v.at[pl.ds(c * L, L)]], bufg_v.at[slot],
            gsem.at[slot],
        ).wait()

        @pl.when(c >= 1)
        def _():
            pltpu.make_async_copy(
                bufs_v, out_hbm.at[pl.ds(seq0 + c - 1, 1)], ssem
            ).wait()

        @plsc.parallel_loop(0, HALF, unroll=2)
        def row_body(p):
            i0 = 2 * p
            i1 = i0 + 1
            for v in range(4):
                sl = pl.ds(v * 16, 16)
                bufs_v[0, i0, sl] = bufg_v[slot, i0, sl] + pe_v[p, sl]
            for v in range(4):
                sl = pl.ds(v * 16, 16)
                bufs_v[0, i1, sl] = (
                    bufg_v[slot, i1, sl] + pe_v[p, pl.ds(D + v * 16, 16)]
                )

        pltpu.async_copy(bufs_v, out_hbm.at[pl.ds(seq0 + c, 1)], ssem)

    def super_body(t, carry):
        c0 = 2 * t
        chunk(c0, 0, 1)
        chunk(c0 + 1, 1, 0)
        return carry

    lax.fori_loop(0, SEQ_PER_W // 2, super_body, 0)
    pltpu.make_async_copy(
        bufs_v, out_hbm.at[pl.ds(seq0 + SEQ_PER_W - 1, 1)], ssem
    ).wait()


def kernel(X, W):
    idx = X.reshape(ROWS).astype(jnp.int32)
    w2 = jnp.pad(W, ((0, 0), (0, D)))
    pe = jnp.asarray(_PE2)
    return _embed_pe(idx, w2, pe)

# --- scband reference (transcript-rebuilt; emitter-appended) ---
"""Pipeline reference for scband-discrete-input-pos-embedder-25151328485682 (READ-ONLY COPY).

The authoritative reference and input builder live on the scoring server;
editing this copy changes nothing except your own understanding.
"""

import jax, jax.numpy as jnp
import numpy as np

NUM_EMBEDDINGS = 1000000
EMBED_DIM = 64
BATCH = 4096
SEQ_LEN = 200


def _positional_encoding(max_len, d_model):
    # Standard sinusoidal positional encoding (PyTorch tutorial style)
    position = jnp.arange(max_len, dtype=jnp.float32)[:, None]
    div_term = jnp.exp(jnp.arange(0, d_model, 2, dtype=jnp.float32) * (-np.log(10000.0) / d_model))
    pe = jnp.zeros((max_len, d_model), dtype=jnp.float32)
    pe = pe.at[:, 0::2].set(jnp.sin(position * div_term))
    pe = pe.at[:, 1::2].set(jnp.cos(position * div_term))
    return pe


def setup_inputs(seed: int = 0) -> dict:
    key = jax.random.key(seed)
    k_idx, k_w = jax.random.split(key)
    X = jax.random.randint(k_idx, (BATCH, SEQ_LEN), 0, NUM_EMBEDDINGS, dtype=jnp.int64 if jax.config.jax_enable_x64 else jnp.int32)
    # nn.Embedding default init: N(0, 1)
    W = jax.random.normal(k_w, (NUM_EMBEDDINGS, EMBED_DIM), dtype=jnp.float32)
    return {"X": X, "W": W}


def reference(X, W):
    # self.embed(X): gather rows of embedding table
    emb = jnp.take(W, X, axis=0)  # [B, L, d]
    # self.pos_enc(emb): add sinusoidal positional encoding; dropout is identity in eval
    pe = _positional_encoding(emb.shape[1], emb.shape[2])
    return emb + pe[None, :, :]

if __name__ == "__main__":
    import jax
    _d = setup_inputs()
    print(jax.jit(kernel)(*tuple(_d.values())))

</pallas_src>

<mosaic_0001>
#map = affine_map<(d0, d1) -> (0)>
#map1 = affine_map<(d0, d1) -> (0, 0)>
#map2 = affine_map<(d0, d1) -> (0, 0, 0)>
module attributes {stable_mosaic.version = 14 : i64} {
  func.func @_embed_pe(%arg0: i32, %arg1: i32, %arg2: memref<819200xi32, #tpu.memory_space<hbm>>, %arg3: memref<1000000x128xf32, #tpu.memory_space<hbm>>, %arg4: memref<100x128xf32, #tpu.memory_space<hbm>>, %arg5: memref<4096x200x64xf32, #tpu.memory_space<hbm>>, %arg6: memref<2x200x128xf32, #tpu.memory_space<vmem>>, %arg7: memref<1x200x64xf32, #tpu.memory_space<vmem>>, %arg8: memref<100x128xf32, #tpu.memory_space<vmem>>, %arg9: memref<25600xi32, #tpu.memory_space<vmem>>, %arg10: memref<2x!tpu.dma_semaphore, #tpu.memory_space<semaphore_mem>>, %arg11: memref<!tpu.dma_semaphore, #tpu.memory_space<semaphore_mem>>) attributes {dimension_semantics = [#tpu.dimension_semantics<core_parallel>, #tpu.dimension_semantics<subcore_parallel>], iteration_bounds = array<i64: 2, 16>, scalar_prefetch = 0 : i64, scratch_operands = 6 : i64, tpu.core_type = #tpu.core_type<sc_vector_subcore>, window_params = [{transform_indices = #map}, {transform_indices = #map1}, {transform_indices = #map1}, {transform_indices = #map2}]} {
    %mul3A = arith.constant 2 : i32
    %mul3A_0 = arith.muli %arg1, %mul3A : i32
    %add3A = arith.addi %mul3A_0, %arg0 : i32
    %mul3A_1 = arith.constant 128 : i32
    %mul3A_2 = arith.muli %add3A, %mul3A_1 : i32
    "tpu.region"() ({
      %run_scoped3A = tpu.sem_alloc : memref<!tpu.dma_semaphore, #tpu.memory_space<semaphore_mem>>
      tpu.enqueue_dma source(%arg4 : memref<100x128xf32, #tpu.memory_space<hbm>>) target(%arg8 : memref<100x128xf32, #tpu.memory_space<vmem>>) target_semaphore(%run_scoped3A : memref<!tpu.dma_semaphore, #tpu.memory_space<semaphore_mem>>)
      tpu.wait_dma2 semaphore(%run_scoped3A : memref<!tpu.dma_semaphore, #tpu.memory_space<semaphore_mem>>) src(%arg4 : memref<100x128xf32, #tpu.memory_space<hbm>>) dst(%arg8 : memref<100x128xf32, #tpu.memory_space<vmem>>)
      tpu.yield
    }) : () -> ()
    %mul3A_3 = arith.constant 200 : i32
    %mul3A_4 = arith.muli %mul3A_2, %mul3A_3 : i32
    "tpu.region"() ({
      %run_scoped3A = tpu.sem_alloc : memref<!tpu.dma_semaphore, #tpu.memory_space<semaphore_mem>>
      %dma_start3A_49 = tpu.memref_slice %arg2[%mul3A_4] : memref<819200xi32, #tpu.memory_space<hbm>> -> memref<25600xi32, #tpu.memory_space<hbm>>
      %dma_start3A_50 = tpu.memref_slice %arg2[%mul3A_4] : memref<819200xi32, #tpu.memory_space<hbm>> -> memref<25600xi32, #tpu.memory_space<hbm>>
      tpu.enqueue_dma source(%dma_start3A_50 : memref<25600xi32, #tpu.memory_space<hbm>>) target(%arg9 : memref<25600xi32, #tpu.memory_space<vmem>>) target_semaphore(%run_scoped3A : memref<!tpu.dma_semaphore, #tpu.memory_space<semaphore_mem>>)
      %dma_wait3A_51 = tpu.memref_slice %arg2[%mul3A_4] : memref<819200xi32, #tpu.memory_space<hbm>> -> memref<25600xi32, #tpu.memory_space<hbm>>
      %dma_wait3A_52 = tpu.memref_slice %arg2[%mul3A_4] : memref<819200xi32, #tpu.memory_space<hbm>> -> memref<25600xi32, #tpu.memory_space<hbm>>
      tpu.wait_dma2 semaphore(%run_scoped3A : memref<!tpu.dma_semaphore, #tpu.memory_space<semaphore_mem>>) src(%dma_wait3A_52 : memref<25600xi32, #tpu.memory_space<hbm>>) dst(%arg9 : memref<25600xi32, #tpu.memory_space<vmem>>)
      tpu.yield
    }) : () -> ()
    %dma_start3A = arith.constant 0 : i32
    %dma_start3A_5 = arith.constant 0 : i32
    %dma_start3A_6 = arith.constant 0 : i32
    %dma_start3A_7 = arith.constant 0 : i32
    %dma_start3A_8 = tpu.memref_slice %arg6[%dma_start3A, %dma_start3A_6, %dma_start3A_7] : memref<2x200x128xf32, #tpu.memory_space<vmem>> -> memref<1x200x128xf32, #tpu.memory_space<vmem>>
    %dma_start3A_9 = tpu.memref_squeeze %dma_start3A_8 : memref<1x200x128xf32, #tpu.memory_space<vmem>> -> memref<200x128xf32, #tpu.memory_space<vmem>>
    %dma_start3A_10 = arith.constant 0 : i32
    %dma_start3A_11 = arith.constant 0 : i32
    %dma_start3A_12 = tpu.memref_slice %dma_start3A_9[%dma_start3A_10, %dma_start3A_11] : memref<200x128xf32, #tpu.memory_space<vmem>> -> memref<104x128xf32, #tpu.memory_space<vmem>>
    %dma_start3A_13 = arith.constant 0 : i32
    %dma_start3A_14 = tpu.memref_slice %arg9[%dma_start3A_13] : memref<25600xi32, #tpu.memory_space<vmem>> -> memref<104xi32, #tpu.memory_space<vmem>>
    %dma_start3A_15 = arith.constant 0 : i32
    %dma_start3A_16 = arith.constant 0 : i32
    %dma_start3A_17 = tpu.memref_slice %arg3[%dma_start3A_15, %dma_start3A_16] : memref<1000000x128xf32, #tpu.memory_space<hbm>> -> memref<1000000x128xf32, #tpu.memory_space<hbm>>
    %dma_start3A_18 = tpu.memref_slice %arg10[%dma_start3A_5] : memref<2x!tpu.dma_semaphore, #tpu.memory_space<semaphore_mem>> -> memref<1x!tpu.dma_semaphore, #tpu.memory_space<semaphore_mem>>
    %dma_start3A_19 = tpu.memref_squeeze %dma_start3A_18 : memref<1x!tpu.dma_semaphore, #tpu.memory_space<semaphore_mem>> -> memref<!tpu.dma_semaphore, #tpu.memory_space<semaphore_mem>>
    tpu.enqueue_indirect_dma source(%dma_start3A_17 : memref<1000000x128xf32, #tpu.memory_space<hbm>>) target(%dma_start3A_12 : memref<104x128xf32, #tpu.memory_space<vmem>>) offsets(%dma_start3A_14 : memref<104xi32, #tpu.memory_space<vmem>>) semaphore(%dma_start3A_19 : memref<!tpu.dma_semaphore, #tpu.memory_space<semaphore_mem>>)
    %dma_start3A_20 = arith.constant 0 : i32
    %dma_start3A_21 = arith.constant 0 : i32
    %dma_start3A_22 = arith.constant 0 : i32
    %dma_start3A_23 = arith.constant 0 : i32
    %dma_start3A_24 = tpu.memref_slice %arg6[%dma_start3A_20, %dma_start3A_22, %dma_start3A_23] : memref<2x200x128xf32, #tpu.memory_space<vmem>> -> memref<1x200x128xf32, #tpu.memory_space<vmem>>
    %dma_start3A_25 = tpu.memref_squeeze %dma_start3A_24 : memref<1x200x128xf32, #tpu.memory_space<vmem>> -> memref<200x128xf32, #tpu.memory_space<vmem>>
    %dma_start3A_26 = arith.constant 104 : i32
    %dma_start3A_27 = arith.constant 0 : i32
    %dma_start3A_28 = tpu.memref_slice %dma_start3A_25[%dma_start3A_26, %dma_start3A_27] : memref<200x128xf32, #tpu.memory_space<vmem>> -> memref<96x128xf32, #tpu.memory_space<vmem>>
    %dma_start3A_29 = arith.constant 104 : i32
    %dma_start3A_30 = tpu.memref_slice %arg9[%dma_start3A_29] : memref<25600xi32, #tpu.memory_space<vmem>> -> memref<96xi32, #tpu.memory_space<vmem>>
    %dma_start3A_31 = arith.constant 0 : i32
    %dma_start3A_32 = arith.constant 0 : i32
    %dma_start3A_33 = tpu.memref_slice %arg3[%dma_start3A_31, %dma_start3A_32] : memref<1000000x128xf32, #tpu.memory_space<hbm>> -> memref<1000000x128xf32, #tpu.memory_space<hbm>>
    %dma_start3A_34 = tpu.memref_slice %arg10[%dma_start3A_21] : memref<2x!tpu.dma_semaphore, #tpu.memory_space<semaphore_mem>> -> memref<1x!tpu.dma_semaphore, #tpu.memory_space<semaphore_mem>>
    %dma_start3A_35 = tpu.memref_squeeze %dma_start3A_34 : memref<1x!tpu.dma_semaphore, #tpu.memory_space<semaphore_mem>> -> memref<!tpu.dma_semaphore, #tpu.memory_space<semaphore_mem>>
    tpu.enqueue_indirect_dma source(%dma_start3A_33 : memref<1000000x128xf32, #tpu.memory_space<hbm>>) target(%dma_start3A_28 : memref<96x128xf32, #tpu.memory_space<vmem>>) offsets(%dma_start3A_30 : memref<96xi32, #tpu.memory_space<vmem>>) semaphore(%dma_start3A_35 : memref<!tpu.dma_semaphore, #tpu.memory_space<semaphore_mem>>)
    %scan3A = arith.constant 0 : i32
    %scan3A_36 = arith.constant 0 : i32
    %scan3A_37 = arith.constant 64 : i32
    %scan3A_38 = arith.addi %scan3A_36, %scan3A_37 : i32
    %scan3A_39 = arith.constant 1 : i32
    scf.for %scan3A_49 = %scan3A_36 to %scan3A_38 step %scan3A_39  : i32 {
      %mul3A_50 = arith.constant 2 : i32
      %mul3A_51 = arith.muli %mul3A_50, %scan3A_49 : i32
      %add3A_52 = arith.constant 1 : i32
      %add3A_53 = arith.addi %mul3A_51, %add3A_52 : i32
      %lt3A = arith.constant 128 : i32
      %lt3A_54 = arith.cmpi slt, %add3A_53, %lt3A : i32
      %convert_element_type3A = arith.extui %lt3A_54 : i1 to i32
      %cond3A = arith.constant 0 : i32
      %cond3A_55 = arith.cmpi ne, %convert_element_type3A, %cond3A : i32
      scf.if %cond3A_55 {
        %add3A_121 = arith.constant 1 : i32
        %add3A_122 = arith.addi %mul3A_51, %add3A_121 : i32
        %mul3A_123 = arith.constant 200 : i32
        %mul3A_124 = arith.muli %add3A_122, %mul3A_123 : i32
        %dma_start3A_125 = arith.constant 1 : i32
        %dma_start3A_126 = arith.constant 1 : i32
        %dma_start3A_127 = arith.constant 0 : i32
        %dma_start3A_128 = arith.constant 0 : i32
        %dma_start3A_129 = tpu.memref_slice %arg6[%dma_start3A_125, %dma_start3A_127, %dma_start3A_128] : memref<2x200x128xf32, #tpu.memory_space<vmem>> -> memref<1x200x128xf32, #tpu.memory_space<vmem>>
        %dma_start3A_130 = tpu.memref_squeeze %dma_start3A_129 : memref<1x200x128xf32, #tpu.memory_space<vmem>> -> memref<200x128xf32, #tpu.memory_space<vmem>>
        %dma_start3A_131 = arith.constant 0 : i32
        %dma_start3A_132 = arith.constant 0 : i32
        %dma_start3A_133 = tpu.memref_slice %dma_start3A_130[%dma_start3A_131, %dma_start3A_132] : memref<200x128xf32, #tpu.memory_space<vmem>> -> memref<104x128xf32, #tpu.memory_space<vmem>>
        %dma_start3A_134 = tpu.memref_slice %arg9[%mul3A_124] : memref<25600xi32, #tpu.memory_space<vmem>> -> memref<104xi32, #tpu.memory_space<vmem>>
        %dma_start3A_135 = arith.constant 0 : i32
        %dma_start3A_136 = arith.constant 0 : i32
        %dma_start3A_137 = tpu.memref_slice %arg3[%dma_start3A_135, %dma_start3A_136] : memref<1000000x128xf32, #tpu.memory_space<hbm>> -> memref<1000000x128xf32, #tpu.memory_space<hbm>>
        %dma_start3A_138 = tpu.memref_slice %arg10[%dma_start3A_126] : memref<2x!tpu.dma_semaphore, #tpu.memory_space<semaphore_mem>> -> memref<1x!tpu.dma_semaphore, #tpu.memory_space<semaphore_mem>>
        %dma_start3A_139 = tpu.memref_squeeze %dma_start3A_138 : memref<1x!tpu.dma_semaphore, #tpu.memory_space<semaphore_mem>> -> memref<!tpu.dma_semaphore, #tpu.memory_space<semaphore_mem>>
        tpu.enqueue_indirect_dma source(%dma_start3A_137 : memref<1000000x128xf32, #tpu.memory_space<hbm>>) target(%dma_start3A_133 : memref<104x128xf32, #tpu.memory_space<vmem>>) offsets(%dma_start3A_134 : memref<104xi32, #tpu.memory_space<vmem>>) semaphore(%dma_start3A_139 : memref<!tpu.dma_semaphore, #tpu.memory_space<semaphore_mem>>)
        %mul3A_140 = arith.constant 200 : i32
        %mul3A_141 = arith.muli %add3A_122, %mul3A_140 : i32
        %add3A_142 = arith.constant 104 : i32
        %add3A_143 = arith.addi %mul3A_141, %add3A_142 : i32
        %dma_start3A_144 = arith.constant 1 : i32
        %dma_start3A_145 = arith.constant 1 : i32
        %dma_start3A_146 = arith.constant 0 : i32
        %dma_start3A_147 = arith.constant 0 : i32
        %dma_start3A_148 = tpu.memref_slice %arg6[%dma_start3A_144, %dma_start3A_146, %dma_start3A_147] : memref<2x200x128xf32, #tpu.memory_space<vmem>> -> memref<1x200x128xf32, #tpu.memory_space<vmem>>
        %dma_start3A_149 = tpu.memref_squeeze %dma_start3A_148 : memref<1x200x128xf32, #tpu.memory_space<vmem>> -> memref<200x128xf32, #tpu.memory_space<vmem>>
        %dma_start3A_150 = arith.constant 104 : i32
        %dma_start3A_151 = arith.constant 0 : i32
        %dma_start3A_152 = tpu.memref_slice %dma_start3A_149[%dma_start3A_150, %dma_start3A_151] : memref<200x128xf32, #tpu.memory_space<vmem>> -> memref<96x128xf32, #tpu.memory_space<vmem>>
        %dma_start3A_153 = tpu.memref_slice %arg9[%add3A_143] : memref<25600xi32, #tpu.memory_space<vmem>> -> memref<96xi32, #tpu.memory_space<vmem>>
        %dma_start3A_154 = arith.constant 0 : i32
        %dma_start3A_155 = arith.constant 0 : i32
        %dma_start3A_156 = tpu.memref_slice %arg3[%dma_start3A_154, %dma_start3A_155] : memref<1000000x128xf32, #tpu.memory_space<hbm>> -> memref<1000000x128xf32, #tpu.memory_space<hbm>>
        %dma_start3A_157 = tpu.memref_slice %arg10[%dma_start3A_145] : memref<2x!tpu.dma_semaphore, #tpu.memory_space<semaphore_mem>> -> memref<1x!tpu.dma_semaphore, #tpu.memory_space<semaphore_mem>>
        %dma_start3A_158 = tpu.memref_squeeze %dma_start3A_157 : memref<1x!tpu.dma_semaphore, #tpu.memory_space<semaphore_mem>> -> memref<!tpu.dma_semaphore, #tpu.memory_space<semaphore_mem>>
        tpu.enqueue_indirect_dma source(%dma_start3A_156 : memref<1000000x128xf32, #tpu.memory_space<hbm>>) target(%dma_start3A_152 : memref<96x128xf32, #tpu.memory_space<vmem>>) offsets(%dma_start3A_153 : memref<96xi32, #tpu.memory_space<vmem>>) semaphore(%dma_start3A_158 : memref<!tpu.dma_semaphore, #tpu.memory_space<semaphore_mem>>)
      } else {
      }
      %mul3A_56 = arith.constant 200 : i32
      %mul3A_57 = arith.muli %mul3A_51, %mul3A_56 : i32
      %dma_wait3A_58 = arith.constant 0 : i32
      %dma_wait3A_59 = arith.constant 0 : i32
      %dma_wait3A_60 = arith.constant 0 : i32
      %dma_wait3A_61 = arith.constant 0 : i32
      %dma_wait3A_62 = tpu.memref_slice %arg6[%dma_wait3A_58, %dma_wait3A_60, %dma_wait3A_61] : memref<2x200x128xf32, #tpu.memory_space<vmem>> -> memref<1x200x128xf32, #tpu.memory_space<vmem>>
      %dma_wait3A_63 = tpu.memref_squeeze %dma_wait3A_62 : memref<1x200x128xf32, #tpu.memory_space<vmem>> -> memref<200x128xf32, #tpu.memory_space<vmem>>
      %dma_wait3A_64 = tpu.memref_slice %arg9[%mul3A_57] : memref<25600xi32, #tpu.memory_space<vmem>> -> memref<200xi32, #tpu.memory_space<vmem>>
      %dma_wait3A_65 = arith.constant 0 : i32
      %dma_wait3A_66 = arith.constant 0 : i32
      %dma_wait3A_67 = tpu.memref_slice %arg3[%dma_wait3A_65, %dma_wait3A_66] : memref<1000000x128xf32, #tpu.memory_space<hbm>> -> memref<1000000x128xf32, #tpu.memory_space<hbm>>
      %dma_wait3A_68 = tpu.memref_slice %arg10[%dma_wait3A_59] : memref<2x!tpu.dma_semaphore, #tpu.memory_space<semaphore_mem>> -> memref<1x!tpu.dma_semaphore, #tpu.memory_space<semaphore_mem>>
      %dma_wait3A_69 = tpu.memref_squeeze %dma_wait3A_68 : memref<1x!tpu.dma_semaphore, #tpu.memory_space<semaphore_mem>> -> memref<!tpu.dma_semaphore, #tpu.memory_space<semaphore_mem>>
      tpu.wait_indirect_dma semaphore(%dma_wait3A_69 : memref<!tpu.dma_semaphore, #tpu.memory_space<semaphore_mem>>) src(%dma_wait3A_67 : memref<1000000x128xf32, #tpu.memory_space<hbm>>) dst(%dma_wait3A_63 : memref<200x128xf32, #tpu.memory_space<vmem>>)
      %ge3A = arith.constant 1 : i32
      %ge3A_70 = arith.cmpi sge, %mul3A_51, %ge3A : i32
      %convert_element_type3A_71 = arith.extui %ge3A_70 : i1 to i32
      %cond3A_72 = arith.constant 0 : i32
      %cond3A_73 = arith.cmpi ne, %convert_element_type3A_71, %cond3A_72 : i32
      scf.if %cond3A_73 {
        %add3A_121 = arith.addi %mul3A_2, %mul3A_51 : i32
        %sub3A_122 = arith.constant 1 : i32
        %sub3A_123 = arith.subi %add3A_121, %sub3A_122 : i32
        %dma_wait3A_124 = arith.constant 0 : i32
        %dma_wait3A_125 = arith.constant 0 : i32
        %dma_wait3A_126 = tpu.memref_slice %arg5[%sub3A_123, %dma_wait3A_124, %dma_wait3A_125] : memref<4096x200x64xf32, #tpu.memory_space<hbm>> -> memref<1x200x64xf32, #tpu.memory_space<hbm>>
        %dma_wait3A_127 = arith.constant 0 : i32
        %dma_wait3A_128 = arith.constant 0 : i32
        %dma_wait3A_129 = tpu.memref_slice %arg5[%sub3A_123, %dma_wait3A_127, %dma_wait3A_128] : memref<4096x200x64xf32, #tpu.memory_space<hbm>> -> memref<1x200x64xf32, #tpu.memory_space<hbm>>
        tpu.wait_dma2 semaphore(%arg11 : memref<!tpu.dma_semaphore, #tpu.memory_space<semaphore_mem>>) src(%arg7 : memref<1x200x64xf32, #tpu.memory_space<vmem>>) dst(%dma_wait3A_129 : memref<1x200x64xf32, #tpu.memory_space<hbm>>)
      } else {
      }
      %parallel_loop3A = arith.constant 0 : i32
      %parallel_loop3A_74 = arith.constant 100 : i32
      %parallel_loop3A_75 = arith.constant 1 : i32
      scf.for %parallel_loop3A_121 = %parallel_loop3A to %parallel_loop3A_74 step %parallel_loop3A_75  : i32 {
        %parallel_loop3A_122 = arith.constant 2 : i32
        %parallel_loop3A_123 = arith.muli %parallel_loop3A_122, %parallel_loop3A_121 : i32
        %parallel_loop3A_124 = arith.constant 1 : i32
        %parallel_loop3A_125 = arith.addi %parallel_loop3A_123, %parallel_loop3A_124 : i32
        %parallel_loop3A_126 = arith.constant 0 : i32
        %parallel_loop3A_127 = arith.index_cast %parallel_loop3A_126 : i32 to index
        %parallel_loop3A_128 = arith.index_cast %parallel_loop3A_123 : i32 to index
        %parallel_loop3A_129 = arith.constant 0 : index
        %parallel_loop3A_130 = tpu.vector_load %arg6[%parallel_loop3A_127, %parallel_loop3A_128, %parallel_loop3A_129] {strides = array<i32>} : memref<2x200x128xf32, #tpu.memory_space<vmem>>, vector<1x1x16xf32>,
        %parallel_loop3A_131 = vector.shape_cast %parallel_loop3A_130 : vector<1x1x16xf32> to vector<16xf32>
        %parallel_loop3A_132 = arith.index_cast %parallel_loop3A_121 : i32 to index
        %parallel_loop3A_133 = arith.constant 0 : index
        %parallel_loop3A_134 = tpu.vector_load %arg8[%parallel_loop3A_132, %parallel_loop3A_133] {strides = array<i32>} : memref<100x128xf32, #tpu.memory_space<vmem>>, vector<1x16xf32>,
        %parallel_loop3A_135 = vector.shape_cast %parallel_loop3A_134 : vector<1x16xf32> to vector<16xf32>
        %parallel_loop3A_136 = arith.addf %parallel_loop3A_131, %parallel_loop3A_135 : vector<16xf32>
        %parallel_loop3A_137 = arith.constant 0 : i32
        %parallel_loop3A_138 = arith.index_cast %parallel_loop3A_137 : i32 to index
        %parallel_loop3A_139 = arith.index_cast %parallel_loop3A_123 : i32 to index
        %parallel_loop3A_140 = arith.constant 0 : index
        %parallel_loop3A_141 = tpu.vector_load %arg7[%parallel_loop3A_138, %parallel_loop3A_139, %parallel_loop3A_140] {strides = array<i32>} : memref<1x200x64xf32, #tpu.memory_space<vmem>>, vector<1x1x16xf32>,
        %parallel_loop3A_142 = vector.shape_cast %parallel_loop3A_141 : vector<1x1x16xf32> to vector<16xf32>
        %parallel_loop3A_143 = vector.shape_cast %parallel_loop3A_136 : vector<16xf32> to vector<1x1x16xf32>
        tpu.vector_store %arg7[%parallel_loop3A_138, %parallel_loop3A_139, %parallel_loop3A_140], %parallel_loop3A_143 {strides = array<i32>} : memref<1x200x64xf32, #tpu.memory_space<vmem>>, vector<1x1x16xf32>,
        %parallel_loop3A_144 = arith.constant 0 : i32
        %parallel_loop3A_145 = arith.index_cast %parallel_loop3A_144 : i32 to index
        %parallel_loop3A_146 = arith.index_cast %parallel_loop3A_123 : i32 to index
        %parallel_loop3A_147 = arith.constant 16 : index
        %parallel_loop3A_148 = tpu.vector_load %arg6[%parallel_loop3A_145, %parallel_loop3A_146, %parallel_loop3A_147] {strides = array<i32>} : memref<2x200x128xf32, #tpu.memory_space<vmem>>, vector<1x1x16xf32>,
        %parallel_loop3A_149 = vector.shape_cast %parallel_loop3A_148 : vector<1x1x16xf32> to vector<16xf32>
        %parallel_loop3A_150 = arith.index_cast %parallel_loop3A_121 : i32 to index
        %parallel_loop3A_151 = arith.constant 16 : index
        %parallel_loop3A_152 = tpu.vector_load %arg8[%parallel_loop3A_150, %parallel_loop3A_151] {strides = array<i32>} : memref<100x128xf32, #tpu.memory_space<vmem>>, vector<1x16xf32>,
        %parallel_loop3A_153 = vector.shape_cast %parallel_loop3A_152 : vector<1x16xf32> to vector<16xf32>
        %parallel_loop3A_154 = arith.addf %parallel_loop3A_149, %parallel_loop3A_153 : vector<16xf32>
        %parallel_loop3A_155 = arith.constant 0 : i32
        %parallel_loop3A_156 = arith.index_cast %parallel_loop3A_155 : i32 to index
        %parallel_loop3A_157 = arith.index_cast %parallel_loop3A_123 : i32 to index
        %parallel_loop3A_158 = arith.constant 16 : index
        %parallel_loop3A_159 = tpu.vector_load %arg7[%parallel_loop3A_156, %parallel_loop3A_157, %parallel_loop3A_158] {strides = array<i32>} : memref<1x200x64xf32, #tpu.memory_space<vmem>>, vector<1x1x16xf32>,
        %parallel_loop3A_160 = vector.shape_cast %parallel_loop3A_159 : vector<1x1x16xf32> to vector<16xf32>
        %parallel_loop3A_161 = vector.shape_cast %parallel_loop3A_154 : vector<16xf32> to vector<1x1x16xf32>
        tpu.vector_store %arg7[%parallel_loop3A_156, %parallel_loop3A_157, %parallel_loop3A_158], %parallel_loop3A_161 {strides = array<i32>} : memref<1x200x64xf32, #tpu.memory_space<vmem>>, vector<1x1x16xf32>,
        %parallel_loop3A_162 = arith.constant 0 : i32
        %parallel_loop3A_163 = arith.index_cast %parallel_loop3A_162 : i32 to index
        %parallel_loop3A_164 = arith.index_cast %parallel_loop3A_123 : i32 to index
        %parallel_loop3A_165 = arith.constant 32 : index
        %parallel_loop3A_166 = tpu.vector_load %arg6[%parallel_loop3A_163, %parallel_loop3A_164, %parallel_loop3A_165] {strides = array<i32>} : memref<2x200x128xf32, #tpu.memory_space<vmem>>, vector<1x1x16xf32>,
        %parallel_loop3A_167 = vector.shape_cast %parallel_loop3A_166 : vector<1x1x16xf32> to vector<16xf32>
        %parallel_loop3A_168 = arith.index_cast %parallel_loop3A_121 : i32 to index
        %parallel_loop3A_169 = arith.constant 32 : index
        %parallel_loop3A_170 = tpu.vector_load %arg8[%parallel_loop3A_168, %parallel_loop3A_169] {strides = array<i32>} : memref<100x128xf32, #tpu.memory_space<vmem>>, vector<1x16xf32>,
        %parallel_loop3A_171 = vector.shape_cast %parallel_loop3A_170 : vector<1x16xf32> to vector<16xf32>
        %parallel_loop3A_172 = arith.addf %parallel_loop3A_167, %parallel_loop3A_171 : vector<16xf32>
        %parallel_loop3A_173 = arith.constant 0 : i32
        %parallel_loop3A_174 = arith.index_cast %parallel_loop3A_173 : i32 to index
        %parallel_loop3A_175 = arith.index_cast %parallel_loop3A_123 : i32 to index
        %parallel_loop3A_176 = arith.constant 32 : index
        %parallel_loop3A_177 = tpu.vector_load %arg7[%parallel_loop3A_174, %parallel_loop3A_175, %parallel_loop3A_176] {strides = array<i32>} : memref<1x200x64xf32, #tpu.memory_space<vmem>>, vector<1x1x16xf32>,
        %parallel_loop3A_178 = vector.shape_cast %parallel_loop3A_177 : vector<1x1x16xf32> to vector<16xf32>
        %parallel_loop3A_179 = vector.shape_cast %parallel_loop3A_172 : vector<16xf32> to vector<1x1x16xf32>
        tpu.vector_store %arg7[%parallel_loop3A_174, %parallel_loop3A_175, %parallel_loop3A_176], %parallel_loop3A_179 {strides = array<i32>} : memref<1x200x64xf32, #tpu.memory_space<vmem>>, vector<1x1x16xf32>,
        %parallel_loop3A_180 = arith.constant 0 : i32
        %parallel_loop3A_181 = arith.index_cast %parallel_loop3A_180 : i32 to index
        %parallel_loop3A_182 = arith.index_cast %parallel_loop3A_123 : i32 to index
        %parallel_loop3A_183 = arith.constant 48 : index
        %parallel_loop3A_184 = tpu.vector_load %arg6[%parallel_loop3A_181, %parallel_loop3A_182, %parallel_loop3A_183] {strides = array<i32>} : memref<2x200x128xf32, #tpu.memory_space<vmem>>, vector<1x1x16xf32>,
        %parallel_loop3A_185 = vector.shape_cast %parallel_loop3A_184 : vector<1x1x16xf32> to vector<16xf32>
        %parallel_loop3A_186 = arith.index_cast %parallel_loop3A_121 : i32 to index
        %parallel_loop3A_187 = arith.constant 48 : index
        %parallel_loop3A_188 = tpu.vector_load %arg8[%parallel_loop3A_186, %parallel_loop3A_187] {strides = array<i32>} : memref<100x128xf32, #tpu.memory_space<vmem>>, vector<1x16xf32>,
        %parallel_loop3A_189 = vector.shape_cast %parallel_loop3A_188 : vector<1x16xf32> to vector<16xf32>
        %parallel_loop3A_190 = arith.addf %parallel_loop3A_185, %parallel_loop3A_189 : vector<16xf32>
        %parallel_loop3A_191 = arith.constant 0 : i32
        %parallel_loop3A_192 = arith.index_cast %parallel_loop3A_191 : i32 to index
        %parallel_loop3A_193 = arith.index_cast %parallel_loop3A_123 : i32 to index
        %parallel_loop3A_194 = arith.constant 48 : index
        %parallel_loop3A_195 = tpu.vector_load %arg7[%parallel_loop3A_192, %parallel_loop3A_193, %parallel_loop3A_194] {strides = array<i32>} : memref<1x200x64xf32, #tpu.memory_space<vmem>>, vector<1x1x16xf32>,
        %parallel_loop3A_196 = vector.shape_cast %parallel_loop3A_195 : vector<1x1x16xf32> to vector<16xf32>
        %parallel_loop3A_197 = vector.shape_cast %parallel_loop3A_190 : vector<16xf32> to vector<1x1x16xf32>
        tpu.vector_store %arg7[%parallel_loop3A_192, %parallel_loop3A_193, %parallel_loop3A_194], %parallel_loop3A_197 {strides = array<i32>} : memref<1x200x64xf32, #tpu.memory_space<vmem>>, vector<1x1x16xf32>,
        %parallel_loop3A_198 = arith.constant 0 : i32
        %parallel_loop3A_199 = arith.index_cast %parallel_loop3A_198 : i32 to index
        %parallel_loop3A_200 = arith.index_cast %parallel_loop3A_125 : i32 to index
        %parallel_loop3A_201 = arith.constant 0 : index
        %parallel_loop3A_202 = tpu.vector_load %arg6[%parallel_loop3A_199, %parallel_loop3A_200, %parallel_loop3A_201] {strides = array<i32>} : memref<2x200x128xf32, #tpu.memory_space<vmem>>, vector<1x1x16xf32>,
        %parallel_loop3A_203 = vector.shape_cast %parallel_loop3A_202 : vector<1x1x16xf32> to vector<16xf32>
        %parallel_loop3A_204 = arith.index_cast %parallel_loop3A_121 : i32 to index
        %parallel_loop3A_205 = arith.constant 64 : index
        %parallel_loop3A_206 = tpu.vector_load %arg8[%parallel_loop3A_204, %parallel_loop3A_205] {strides = array<i32>} : memref<100x128xf32, #tpu.memory_space<vmem>>, vector<1x16xf32>,
        %parallel_loop3A_207 = vector.shape_cast %parallel_loop3A_206 : vector<1x16xf32> to vector<16xf32>
        %parallel_loop3A_208 = arith.addf %parallel_loop3A_203, %parallel_loop3A_207 : vector<16xf32>
        %parallel_loop3A_209 = arith.constant 0 : i32
        %parallel_loop3A_210 = arith.index_cast %parallel_loop3A_209 : i32 to index
        %parallel_loop3A_211 = arith.index_cast %parallel_loop3A_125 : i32 to index
        %parallel_loop3A_212 = arith.constant 0 : index
        %parallel_loop3A_213 = tpu.vector_load %arg7[%parallel_loop3A_210, %parallel_loop3A_211, %parallel_loop3A_212] {strides = array<i32>} : memref<1x200x64xf32, #tpu.memory_space<vmem>>, vector<1x1x16xf32>,
        %parallel_loop3A_214 = vector.shape_cast %parallel_loop3A_213 : vector<1x1x16xf32> to vector<16xf32>
        %parallel_loop3A_215 = vector.shape_cast %parallel_loop3A_208 : vector<16xf32> to vector<1x1x16xf32>
        tpu.vector_store %arg7[%parallel_loop3A_210, %parallel_loop3A_211, %parallel_loop3A_212], %parallel_loop3A_215 {strides = array<i32>} : memref<1x200x64xf32, #tpu.memory_space<vmem>>, vector<1x1x16xf32>,
        %parallel_loop3A_216 = arith.constant 0 : i32
        %parallel_loop3A_217 = arith.index_cast %parallel_loop3A_216 : i32 to index
        %parallel_loop3A_218 = arith.index_cast %parallel_loop3A_125 : i32 to index
        %parallel_loop3A_219 = arith.constant 16 : index
        %parallel_loop3A_220 = tpu.vector_load %arg6[%parallel_loop3A_217, %parallel_loop3A_218, %parallel_loop3A_219] {strides = array<i32>} : memref<2x200x128xf32, #tpu.memory_space<vmem>>, vector<1x1x16xf32>,
        %parallel_loop3A_221 = vector.shape_cast %parallel_loop3A_220 : vector<1x1x16xf32> to vector<16xf32>
        %parallel_loop3A_222 = arith.index_cast %parallel_loop3A_121 : i32 to index
        %parallel_loop3A_223 = arith.constant 80 : index
        %parallel_loop3A_224 = tpu.vector_load %arg8[%parallel_loop3A_222, %parallel_loop3A_223] {strides = array<i32>} : memref<100x128xf32, #tpu.memory_space<vmem>>, vector<1x16xf32>,
        %parallel_loop3A_225 = vector.shape_cast %parallel_loop3A_224 : vector<1x16xf32> to vector<16xf32>
        %parallel_loop3A_226 = arith.addf %parallel_loop3A_221, %parallel_loop3A_225 : vector<16xf32>
        %parallel_loop3A_227 = arith.constant 0 : i32
        %parallel_loop3A_228 = arith.index_cast %parallel_loop3A_227 : i32 to index
        %parallel_loop3A_229 = arith.index_cast %parallel_loop3A_125 : i32 to index
        %parallel_loop3A_230 = arith.constant 16 : index
        %parallel_loop3A_231 = tpu.vector_load %arg7[%parallel_loop3A_228, %parallel_loop3A_229, %parallel_loop3A_230] {strides = array<i32>} : memref<1x200x64xf32, #tpu.memory_space<vmem>>, vector<1x1x16xf32>,
        %parallel_loop3A_232 = vector.shape_cast %parallel_loop3A_231 : vector<1x1x16xf32> to vector<16xf32>
        %parallel_loop3A_233 = vector.shape_cast %parallel_loop3A_226 : vector<16xf32> to vector<1x1x16xf32>
        tpu.vector_store %arg7[%parallel_loop3A_228, %parallel_loop3A_229, %parallel_loop3A_230], %parallel_loop3A_233 {strides = array<i32>} : memref<1x200x64xf32, #tpu.memory_space<vmem>>, vector<1x1x16xf32>,
        %parallel_loop3A_234 = arith.constant 0 : i32
        %parallel_loop3A_235 = arith.index_cast %parallel_loop3A_234 : i32 to index
        %parallel_loop3A_236 = arith.index_cast %parallel_loop3A_125 : i32 to index
        %parallel_loop3A_237 = arith.constant 32 : index
        %parallel_loop3A_238 = tpu.vector_load %arg6[%parallel_loop3A_235, %parallel_loop3A_236, %parallel_loop3A_237] {strides = array<i32>} : memref<2x200x128xf32, #tpu.memory_space<vmem>>, vector<1x1x16xf32>,
        %parallel_loop3A_239 = vector.shape_cast %parallel_loop3A_238 : vector<1x1x16xf32> to vector<16xf32>
        %parallel_loop3A_240 = arith.index_cast %parallel_loop3A_121 : i32 to index
        %parallel_loop3A_241 = arith.constant 96 : index
        %parallel_loop3A_242 = tpu.vector_load %arg8[%parallel_loop3A_240, %parallel_loop3A_241] {strides = array<i32>} : memref<100x128xf32, #tpu.memory_space<vmem>>, vector<1x16xf32>,
        %parallel_loop3A_243 = vector.shape_cast %parallel_loop3A_242 : vector<1x16xf32> to vector<16xf32>
        %parallel_loop3A_244 = arith.addf %parallel_loop3A_239, %parallel_loop3A_243 : vector<16xf32>
        %parallel_loop3A_245 = arith.constant 0 : i32
        %parallel_loop3A_246 = arith.index_cast %parallel_loop3A_245 : i32 to index
        %parallel_loop3A_247 = arith.index_cast %parallel_loop3A_125 : i32 to index
        %parallel_loop3A_248 = arith.constant 32 : index
        %parallel_loop3A_249 = tpu.vector_load %arg7[%parallel_loop3A_246, %parallel_loop3A_247, %parallel_loop3A_248] {strides = array<i32>} : memref<1x200x64xf32, #tpu.memory_space<vmem>>, vector<1x1x16xf32>,
        %parallel_loop3A_250 = vector.shape_cast %parallel_loop3A_249 : vector<1x1x16xf32> to vector<16xf32>
        %parallel_loop3A_251 = vector.shape_cast %parallel_loop3A_244 : vector<16xf32> to vector<1x1x16xf32>
        tpu.vector_store %arg7[%parallel_loop3A_246, %parallel_loop3A_247, %parallel_loop3A_248], %parallel_loop3A_251 {strides = array<i32>} : memref<1x200x64xf32, #tpu.memory_space<vmem>>, vector<1x1x16xf32>,
        %parallel_loop3A_252 = arith.constant 0 : i32
        %parallel_loop3A_253 = arith.index_cast %parallel_loop3A_252 : i32 to index
        %parallel_loop3A_254 = arith.index_cast %parallel_loop3A_125 : i32 to index
        %parallel_loop3A_255 = arith.constant 48 : index
        %parallel_loop3A_256 = tpu.vector_load %arg6[%parallel_loop3A_253, %parallel_loop3A_254, %parallel_loop3A_255] {strides = array<i32>} : memref<2x200x128xf32, #tpu.memory_space<vmem>>, vector<1x1x16xf32>,
        %parallel_loop3A_257 = vector.shape_cast %parallel_loop3A_256 : vector<1x1x16xf32> to vector<16xf32>
        %parallel_loop3A_258 = arith.index_cast %parallel_loop3A_121 : i32 to index
        %parallel_loop3A_259 = arith.constant 112 : index
        %parallel_loop3A_260 = tpu.vector_load %arg8[%parallel_loop3A_258, %parallel_loop3A_259] {strides = array<i32>} : memref<100x128xf32, #tpu.memory_space<vmem>>, vector<1x16xf32>,
        %parallel_loop3A_261 = vector.shape_cast %parallel_loop3A_260 : vector<1x16xf32> to vector<16xf32>
        %parallel_loop3A_262 = arith.addf %parallel_loop3A_257, %parallel_loop3A_261 : vector<16xf32>
        %parallel_loop3A_263 = arith.constant 0 : i32
        %parallel_loop3A_264 = arith.index_cast %parallel_loop3A_263 : i32 to index
        %parallel_loop3A_265 = arith.index_cast %parallel_loop3A_125 : i32 to index
        %parallel_loop3A_266 = arith.constant 48 : index
        %parallel_loop3A_267 = tpu.vector_load %arg7[%parallel_loop3A_264, %parallel_loop3A_265, %parallel_loop3A_266] {strides = array<i32>} : memref<1x200x64xf32, #tpu.memory_space<vmem>>, vector<1x1x16xf32>,
        %parallel_loop3A_268 = vector.shape_cast %parallel_loop3A_267 : vector<1x1x16xf32> to vector<16xf32>
        %parallel_loop3A_269 = vector.shape_cast %parallel_loop3A_262 : vector<16xf32> to vector<1x1x16xf32>
        tpu.vector_store %arg7[%parallel_loop3A_264, %parallel_loop3A_265, %parallel_loop3A_266], %parallel_loop3A_269 {strides = array<i32>} : memref<1x200x64xf32, #tpu.memory_space<vmem>>, vector<1x1x16xf32>,
      } {sc.loop_unroll_factor = 2 : i64, sc.parallel_access}
      %add3A_76 = arith.addi %mul3A_2, %mul3A_51 : i32
      %dma_start3A_77 = arith.constant 0 : i32
      %dma_start3A_78 = arith.constant 0 : i32
      %dma_start3A_79 = tpu.memref_slice %arg5[%add3A_76, %dma_start3A_77, %dma_start3A_78] : memref<4096x200x64xf32, #tpu.memory_space<hbm>> -> memref<1x200x64xf32, #tpu.memory_space<hbm>>
      %dma_start3A_80 = arith.constant 0 : i32
      %dma_start3A_81 = arith.constant 0 : i32
      %dma_start3A_82 = tpu.memref_slice %arg5[%add3A_76, %dma_start3A_80, %dma_start3A_81] : memref<4096x200x64xf32, #tpu.memory_space<hbm>> -> memref<1x200x64xf32, #tpu.memory_space<hbm>>
      tpu.enqueue_dma source(%arg7 : memref<1x200x64xf32, #tpu.memory_space<vmem>>) target(%dma_start3A_82 : memref<1x200x64xf32, #tpu.memory_space<hbm>>) target_semaphore(%arg11 : memref<!tpu.dma_semaphore, #tpu.memory_space<semaphore_mem>>)
      %add3A_83 = arith.constant 1 : i32
      %add3A_84 = arith.addi %mul3A_51, %add3A_83 : i32
      %add3A_85 = arith.constant 1 : i32
      %add3A_86 = arith.addi %add3A_84, %add3A_85 : i32
      %lt3A_87 = arith.constant 128 : i32
      %lt3A_88 = arith.cmpi slt, %add3A_86, %lt3A_87 : i32
      %convert_element_type3A_89 = arith.extui %lt3A_88 : i1 to i32
      %cond3A_90 = arith.constant 0 : i32
      %cond3A_91 = arith.cmpi ne, %convert_element_type3A_89, %cond3A_90 : i32
      scf.if %cond3A_91 {
        %add3A_121 = arith.constant 1 : i32
        %add3A_122 = arith.addi %add3A_84, %add3A_121 : i32
        %mul3A_123 = arith.constant 200 : i32
        %mul3A_124 = arith.muli %add3A_122, %mul3A_123 : i32
        %dma_start3A_125 = arith.constant 0 : i32
        %dma_start3A_126 = arith.constant 0 : i32
        %dma_start3A_127 = arith.constant 0 : i32
        %dma_start3A_128 = arith.constant 0 : i32
        %dma_start3A_129 = tpu.memref_slice %arg6[%dma_start3A_125, %dma_start3A_127, %dma_start3A_128] : memref<2x200x128xf32, #tpu.memory_space<vmem>> -> memref<1x200x128xf32, #tpu.memory_space<vmem>>
        %dma_start3A_130 = tpu.memref_squeeze %dma_start3A_129 : memref<1x200x128xf32, #tpu.memory_space<vmem>> -> memref<200x128xf32, #tpu.memory_space<vmem>>
        %dma_start3A_131 = arith.constant 0 : i32
        %dma_start3A_132 = arith.constant 0 : i32
        %dma_start3A_133 = tpu.memref_slice %dma_start3A_130[%dma_start3A_131, %dma_start3A_132] : memref<200x128xf32, #tpu.memory_space<vmem>> -> memref<104x128xf32, #tpu.memory_space<vmem>>
        %dma_start3A_134 = tpu.memref_slice %arg9[%mul3A_124] : memref<25600xi32, #tpu.memory_space<vmem>> -> memref<104xi32, #tpu.memory_space<vmem>>
        %dma_start3A_135 = arith.constant 0 : i32
        %dma_start3A_136 = arith.constant 0 : i32
        %dma_start3A_137 = tpu.memref_slice %arg3[%dma_start3A_135, %dma_start3A_136] : memref<1000000x128xf32, #tpu.memory_space<hbm>> -> memref<1000000x128xf32, #tpu.memory_space<hbm>>
        %dma_start3A_138 = tpu.memref_slice %arg10[%dma_start3A_126] : memref<2x!tpu.dma_semaphore, #tpu.memory_space<semaphore_mem>> -> memref<1x!tpu.dma_semaphore, #tpu.memory_space<semaphore_mem>>
        %dma_start3A_139 = tpu.memref_squeeze %dma_start3A_138 : memref<1x!tpu.dma_semaphore, #tpu.memory_space<semaphore_mem>> -> memref<!tpu.dma_semaphore, #tpu.memory_space<semaphore_mem>>
        tpu.enqueue_indirect_dma source(%dma_start3A_137 : memref<1000000x128xf32, #tpu.memory_space<hbm>>) target(%dma_start3A_133 : memref<104x128xf32, #tpu.memory_space<vmem>>) offsets(%dma_start3A_134 : memref<104xi32, #tpu.memory_space<vmem>>) semaphore(%dma_start3A_139 : memref<!tpu.dma_semaphore, #tpu.memory_space<semaphore_mem>>)
        %mul3A_140 = arith.constant 200 : i32
        %mul3A_141 = arith.muli %add3A_122, %mul3A_140 : i32
        %add3A_142 = arith.constant 104 : i32
        %add3A_143 = arith.addi %mul3A_141, %add3A_142 : i32
        %dma_start3A_144 = arith.constant 0 : i32
        %dma_start3A_145 = arith.constant 0 : i32
        %dma_start3A_146 = arith.constant 0 : i32
        %dma_start3A_147 = arith.constant 0 : i32
        %dma_start3A_148 = tpu.memref_slice %arg6[%dma_start3A_144, %dma_start3A_146, %dma_start3A_147] : memref<2x200x128xf32, #tpu.memory_space<vmem>> -> memref<1x200x128xf32, #tpu.memory_space<vmem>>
        %dma_start3A_149 = tpu.memref_squeeze %dma_start3A_148 : memref<1x200x128xf32, #tpu.memory_space<vmem>> -> memref<200x128xf32, #tpu.memory_space<vmem>>
        %dma_start3A_150 = arith.constant 104 : i32
        %dma_start3A_151 = arith.constant 0 : i32
        %dma_start3A_152 = tpu.memref_slice %dma_start3A_149[%dma_start3A_150, %dma_start3A_151] : memref<200x128xf32, #tpu.memory_space<vmem>> -> memref<96x128xf32, #tpu.memory_space<vmem>>
        %dma_start3A_153 = tpu.memref_slice %arg9[%add3A_143] : memref<25600xi32, #tpu.memory_space<vmem>> -> memref<96xi32, #tpu.memory_space<vmem>>
        %dma_start3A_154 = arith.constant 0 : i32
        %dma_start3A_155 = arith.constant 0 : i32
        %dma_start3A_156 = tpu.memref_slice %arg3[%dma_start3A_154, %dma_start3A_155] : memref<1000000x128xf32, #tpu.memory_space<hbm>> -> memref<1000000x128xf32, #tpu.memory_space<hbm>>
        %dma_start3A_157 = tpu.memref_slice %arg10[%dma_start3A_145] : memref<2x!tpu.dma_semaphore, #tpu.memory_space<semaphore_mem>> -> memref<1x!tpu.dma_semaphore, #tpu.memory_space<semaphore_mem>>
        %dma_start3A_158 = tpu.memref_squeeze %dma_start3A_157 : memref<1x!tpu.dma_semaphore, #tpu.memory_space<semaphore_mem>> -> memref<!tpu.dma_semaphore, #tpu.memory_space<semaphore_mem>>
        tpu.enqueue_indirect_dma source(%dma_start3A_156 : memref<1000000x128xf32, #tpu.memory_space<hbm>>) target(%dma_start3A_152 : memref<96x128xf32, #tpu.memory_space<vmem>>) offsets(%dma_start3A_153 : memref<96xi32, #tpu.memory_space<vmem>>) semaphore(%dma_start3A_158 : memref<!tpu.dma_semaphore, #tpu.memory_space<semaphore_mem>>)
      } else {
      }
      %mul3A_92 = arith.constant 200 : i32
      %mul3A_93 = arith.muli %add3A_84, %mul3A_92 : i32
      %dma_wait3A_94 = arith.constant 1 : i32
      %dma_wait3A_95 = arith.constant 1 : i32
      %dma_wait3A_96 = arith.constant 0 : i32
      %dma_wait3A_97 = arith.constant 0 : i32
      %dma_wait3A_98 = tpu.memref_slice %arg6[%dma_wait3A_94, %dma_wait3A_96, %dma_wait3A_97] : memref<2x200x128xf32, #tpu.memory_space<vmem>> -> memref<1x200x128xf32, #tpu.memory_space<vmem>>
      %dma_wait3A_99 = tpu.memref_squeeze %dma_wait3A_98 : memref<1x200x128xf32, #tpu.memory_space<vmem>> -> memref<200x128xf32, #tpu.memory_space<vmem>>
      %dma_wait3A_100 = tpu.memref_slice %arg9[%mul3A_93] : memref<25600xi32, #tpu.memory_space<vmem>> -> memref<200xi32, #tpu.memory_space<vmem>>
      %dma_wait3A_101 = arith.constant 0 : i32
      %dma_wait3A_102 = arith.constant 0 : i32
      %dma_wait3A_103 = tpu.memref_slice %arg3[%dma_wait3A_101, %dma_wait3A_102] : memref<1000000x128xf32, #tpu.memory_space<hbm>> -> memref<1000000x128xf32, #tpu.memory_space<hbm>>
      %dma_wait3A_104 = tpu.memref_slice %arg10[%dma_wait3A_95] : memref<2x!tpu.dma_semaphore, #tpu.memory_space<semaphore_mem>> -> memref<1x!tpu.dma_semaphore, #tpu.memory_space<semaphore_mem>>
      %dma_wait3A_105 = tpu.memref_squeeze %dma_wait3A_104 : memref<1x!tpu.dma_semaphore, #tpu.memory_space<semaphore_mem>> -> memref<!tpu.dma_semaphore, #tpu.memory_space<semaphore_mem>>
      tpu.wait_indirect_dma semaphore(%dma_wait3A_105 : memref<!tpu.dma_semaphore, #tpu.memory_space<semaphore_mem>>) src(%dma_wait3A_103 : memref<1000000x128xf32, #tpu.memory_space<hbm>>) dst(%dma_wait3A_99 : memref<200x128xf32, #tpu.memory_space<vmem>>)
      %ge3A_106 = arith.constant 1 : i32
      %ge3A_107 = arith.cmpi sge, %add3A_84, %ge3A_106 : i32
      %convert_element_type3A_108 = arith.extui %ge3A_107 : i1 to i32
      %cond3A_109 = arith.constant 0 : i32
      %cond3A_110 = arith.cmpi ne, %convert_element_type3A_108, %cond3A_109 : i32
      scf.if %cond3A_110 {
        %add3A_121 = arith.addi %mul3A_2, %add3A_84 : i32
        %sub3A_122 = arith.constant 1 : i32
        %sub3A_123 = arith.subi %add3A_121, %sub3A_122 : i32
        %dma_wait3A_124 = arith.constant 0 : i32
        %dma_wait3A_125 = arith.constant 0 : i32
        %dma_wait3A_126 = tpu.memref_slice %arg5[%sub3A_123, %dma_wait3A_124, %dma_wait3A_125] : memref<4096x200x64xf32, #tpu.memory_space<hbm>> -> memref<1x200x64xf32, #tpu.memory_space<hbm>>
        %dma_wait3A_127 = arith.constant 0 : i32
        %dma_wait3A_128 = arith.constant 0 : i32
        %dma_wait3A_129 = tpu.memref_slice %arg5[%sub3A_123, %dma_wait3A_127, %dma_wait3A_128] : memref<4096x200x64xf32, #tpu.memory_space<hbm>> -> memref<1x200x64xf32, #tpu.memory_space<hbm>>
        tpu.wait_dma2 semaphore(%arg11 : memref<!tpu.dma_semaphore, #tpu.memory_space<semaphore_mem>>) src(%arg7 : memref<1x200x64xf32, #tpu.memory_space<vmem>>) dst(%dma_wait3A_129 : memref<1x200x64xf32, #tpu.memory_space<hbm>>)
      } else {
      }
      %parallel_loop3A_111 = arith.constant 0 : i32
      %parallel_loop3A_112 = arith.constant 100 : i32
      %parallel_loop3A_113 = arith.constant 1 : i32
      scf.for %parallel_loop3A_121 = %parallel_loop3A_111 to %parallel_loop3A_112 step %parallel_loop3A_113  : i32 {
        %parallel_loop3A_122 = arith.constant 2 : i32
        %parallel_loop3A_123 = arith.muli %parallel_loop3A_122, %parallel_loop3A_121 : i32
        %parallel_loop3A_124 = arith.constant 1 : i32
        %parallel_loop3A_125 = arith.addi %parallel_loop3A_123, %parallel_loop3A_124 : i32
        %parallel_loop3A_126 = arith.constant 1 : i32
        %parallel_loop3A_127 = arith.index_cast %parallel_loop3A_126 : i32 to index
        %parallel_loop3A_128 = arith.index_cast %parallel_loop3A_123 : i32 to index
        %parallel_loop3A_129 = arith.constant 0 : index
        %parallel_loop3A_130 = tpu.vector_load %arg6[%parallel_loop3A_127, %parallel_loop3A_128, %parallel_loop3A_129] {strides = array<i32>} : memref<2x200x128xf32, #tpu.memory_space<vmem>>, vector<1x1x16xf32>,
        %parallel_loop3A_131 = vector.shape_cast %parallel_loop3A_130 : vector<1x1x16xf32> to vector<16xf32>
        %parallel_loop3A_132 = arith.index_cast %parallel_loop3A_121 : i32 to index
        %parallel_loop3A_133 = arith.constant 0 : index
        %parallel_loop3A_134 = tpu.vector_load %arg8[%parallel_loop3A_132, %parallel_loop3A_133] {strides = array<i32>} : memref<100x128xf32, #tpu.memory_space<vmem>>, vector<1x16xf32>,
        %parallel_loop3A_135 = vector.shape_cast %parallel_loop3A_134 : vector<1x16xf32> to vector<16xf32>
        %parallel_loop3A_136 = arith.addf %parallel_loop3A_131, %parallel_loop3A_135 : vector<16xf32>
        %parallel_loop3A_137 = arith.constant 0 : i32
        %parallel_loop3A_138 = arith.index_cast %parallel_loop3A_137 : i32 to index
        %parallel_loop3A_139 = arith.index_cast %parallel_loop3A_123 : i32 to index
        %parallel_loop3A_140 = arith.constant 0 : index
        %parallel_loop3A_141 = tpu.vector_load %arg7[%parallel_loop3A_138, %parallel_loop3A_139, %parallel_loop3A_140] {strides = array<i32>} : memref<1x200x64xf32, #tpu.memory_space<vmem>>, vector<1x1x16xf32>,
        %parallel_loop3A_142 = vector.shape_cast %parallel_loop3A_141 : vector<1x1x16xf32> to vector<16xf32>
        %parallel_loop3A_143 = vector.shape_cast %parallel_loop3A_136 : vector<16xf32> to vector<1x1x16xf32>
        tpu.vector_store %arg7[%parallel_loop3A_138, %parallel_loop3A_139, %parallel_loop3A_140], %parallel_loop3A_143 {strides = array<i32>} : memref<1x200x64xf32, #tpu.memory_space<vmem>>, vector<1x1x16xf32>,
        %parallel_loop3A_144 = arith.constant 1 : i32
        %parallel_loop3A_145 = arith.index_cast %parallel_loop3A_144 : i32 to index
        %parallel_loop3A_146 = arith.index_cast %parallel_loop3A_123 : i32 to index
        %parallel_loop3A_147 = arith.constant 16 : index
        %parallel_loop3A_148 = tpu.vector_load %arg6[%parallel_loop3A_145, %parallel_loop3A_146, %parallel_loop3A_147] {strides = array<i32>} : memref<2x200x128xf32, #tpu.memory_space<vmem>>, vector<1x1x16xf32>,
        %parallel_loop3A_149 = vector.shape_cast %parallel_loop3A_148 : vector<1x1x16xf32> to vector<16xf32>
        %parallel_loop3A_150 = arith.index_cast %parallel_loop3A_121 : i32 to index
        %parallel_loop3A_151 = arith.constant 16 : index
        %parallel_loop3A_152 = tpu.vector_load %arg8[%parallel_loop3A_150, %parallel_loop3A_151] {strides = array<i32>} : memref<100x128xf32, #tpu.memory_space<vmem>>, vector<1x16xf32>,
        %parallel_loop3A_153 = vector.shape_cast %parallel_loop3A_152 : vector<1x16xf32> to vector<16xf32>
        %parallel_loop3A_154 = arith.addf %parallel_loop3A_149, %parallel_loop3A_153 : vector<16xf32>
        %parallel_loop3A_155 = arith.constant 0 : i32
        %parallel_loop3A_156 = arith.index_cast %parallel_loop3A_155 : i32 to index
        %parallel_loop3A_157 = arith.index_cast %parallel_loop3A_123 : i32 to index
        %parallel_loop3A_158 = arith.constant 16 : index
        %parallel_loop3A_159 = tpu.vector_load %arg7[%parallel_loop3A_156, %parallel_loop3A_157, %parallel_loop3A_158] {strides = array<i32>} : memref<1x200x64xf32, #tpu.memory_space<vmem>>, vector<1x1x16xf32>,
        %parallel_loop3A_160 = vector.shape_cast %parallel_loop3A_159 : vector<1x1x16xf32> to vector<16xf32>
        %parallel_loop3A_161 = vector.shape_cast %parallel_loop3A_154 : vector<16xf32> to vector<1x1x16xf32>
        tpu.vector_store %arg7[%parallel_loop3A_156, %parallel_loop3A_157, %parallel_loop3A_158], %parallel_loop3A_161 {strides = array<i32>} : memref<1x200x64xf32, #tpu.memory_space<vmem>>, vector<1x1x16xf32>,
        %parallel_loop3A_162 = arith.constant 1 : i32
        %parallel_loop3A_163 = arith.index_cast %parallel_loop3A_162 : i32 to index
        %parallel_loop3A_164 = arith.index_cast %parallel_loop3A_123 : i32 to index
        %parallel_loop3A_165 = arith.constant 32 : index
        %parallel_loop3A_166 = tpu.vector_load %arg6[%parallel_loop3A_163, %parallel_loop3A_164, %parallel_loop3A_165] {strides = array<i32>} : memref<2x200x128xf32, #tpu.memory_space<vmem>>, vector<1x1x16xf32>,
        %parallel_loop3A_167 = vector.shape_cast %parallel_loop3A_166 : vector<1x1x16xf32> to vector<16xf32>
        %parallel_loop3A_168 = arith.index_cast %parallel_loop3A_121 : i32 to index
        %parallel_loop3A_169 = arith.constant 32 : index
        %parallel_loop3A_170 = tpu.vector_load %arg8[%parallel_loop3A_168, %parallel_loop3A_169] {strides = array<i32>} : memref<100x128xf32, #tpu.memory_space<vmem>>, vector<1x16xf32>,
        %parallel_loop3A_171 = vector.shape_cast %parallel_loop3A_170 : vector<1x16xf32> to vector<16xf32>
        %parallel_loop3A_172 = arith.addf %parallel_loop3A_167, %parallel_loop3A_171 : vector<16xf32>
        %parallel_loop3A_173 = arith.constant 0 : i32
        %parallel_loop3A_174 = arith.index_cast %parallel_loop3A_173 : i32 to index
        %parallel_loop3A_175 = arith.index_cast %parallel_loop3A_123 : i32 to index
        %parallel_loop3A_176 = arith.constant 32 : index
        %parallel_loop3A_177 = tpu.vector_load %arg7[%parallel_loop3A_174, %parallel_loop3A_175, %parallel_loop3A_176] {strides = array<i32>} : memref<1x200x64xf32, #tpu.memory_space<vmem>>, vector<1x1x16xf32>,
        %parallel_loop3A_178 = vector.shape_cast %parallel_loop3A_177 : vector<1x1x16xf32> to vector<16xf32>
        %parallel_loop3A_179 = vector.shape_cast %parallel_loop3A_172 : vector<16xf32> to vector<1x1x16xf32>
        tpu.vector_store %arg7[%parallel_loop3A_174, %parallel_loop3A_175, %parallel_loop3A_176], %parallel_loop3A_179 {strides = array<i32>} : memref<1x200x64xf32, #tpu.memory_space<vmem>>, vector<1x1x16xf32>,
        %parallel_loop3A_180 = arith.constant 1 : i32
        %parallel_loop3A_181 = arith.index_cast %parallel_loop3A_180 : i32 to index
        %parallel_loop3A_182 = arith.index_cast %parallel_loop3A_123 : i32 to index
        %parallel_loop3A_183 = arith.constant 48 : index
        %parallel_loop3A_184 = tpu.vector_load %arg6[%parallel_loop3A_181, %parallel_loop3A_182, %parallel_loop3A_183] {strides = array<i32>} : memref<2x200x128xf32, #tpu.memory_space<vmem>>, vector<1x1x16xf32>,
        %parallel_loop3A_185 = vector.shape_cast %parallel_loop3A_184 : vector<1x1x16xf32> to vector<16xf32>
        %parallel_loop3A_186 = arith.index_cast %parallel_loop3A_121 : i32 to index
        %parallel_loop3A_187 = arith.constant 48 : index
        %parallel_loop3A_188 = tpu.vector_load %arg8[%parallel_loop3A_186, %parallel_loop3A_187] {strides = array<i32>} : memref<100x128xf32, #tpu.memory_space<vmem>>, vector<1x16xf32>,
        %parallel_loop3A_189 = vector.shape_cast %parallel_loop3A_188 : vector<1x16xf32> to vector<16xf32>
        %parallel_loop3A_190 = arith.addf %parallel_loop3A_185, %parallel_loop3A_189 : vector<16xf32>
        %parallel_loop3A_191 = arith.constant 0 : i32
        %parallel_loop3A_192 = arith.index_cast %parallel_loop3A_191 : i32 to index
        %parallel_loop3A_193 = arith.index_cast %parallel_loop3A_123 : i32 to index
        %parallel_loop3A_194 = arith.constant 48 : index
        %parallel_loop3A_195 = tpu.vector_load %arg7[%parallel_loop3A_192, %parallel_loop3A_193, %parallel_loop3A_194] {strides = array<i32>} : memref<1x200x64xf32, #tpu.memory_space<vmem>>, vector<1x1x16xf32>,
        %parallel_loop3A_196 = vector.shape_cast %parallel_loop3A_195 : vector<1x1x16xf32> to vector<16xf32>
        %parallel_loop3A_197 = vector.shape_cast %parallel_loop3A_190 : vector<16xf32> to vector<1x1x16xf32>
        tpu.vector_store %arg7[%parallel_loop3A_192, %parallel_loop3A_193, %parallel_loop3A_194], %parallel_loop3A_197 {strides = array<i32>} : memref<1x200x64xf32, #tpu.memory_space<vmem>>, vector<1x1x16xf32>,
        %parallel_loop3A_198 = arith.constant 1 : i32
        %parallel_loop3A_199 = arith.index_cast %parallel_loop3A_198 : i32 to index
        %parallel_loop3A_200 = arith.index_cast %parallel_loop3A_125 : i32 to index
        %parallel_loop3A_201 = arith.constant 0 : index
        %parallel_loop3A_202 = tpu.vector_load %arg6[%parallel_loop3A_199, %parallel_loop3A_200, %parallel_loop3A_201] {strides = array<i32>} : memref<2x200x128xf32, #tpu.memory_space<vmem>>, vector<1x1x16xf32>,
        %parallel_loop3A_203 = vector.shape_cast %parallel_loop3A_202 : vector<1x1x16xf32> to vector<16xf32>
        %parallel_loop3A_204 = arith.index_cast %parallel_loop3A_121 : i32 to index
        %parallel_loop3A_205 = arith.constant 64 : index
        %parallel_loop3A_206 = tpu.vector_load %arg8[%parallel_loop3A_204, %parallel_loop3A_205] {strides = array<i32>} : memref<100x128xf32, #tpu.memory_space<vmem>>, vector<1x16xf32>,
        %parallel_loop3A_207 = vector.shape_cast %parallel_loop3A_206 : vector<1x16xf32> to vector<16xf32>
        %parallel_loop3A_208 = arith.addf %parallel_loop3A_203, %parallel_loop3A_207 : vector<16xf32>
        %parallel_loop3A_209 = arith.constant 0 : i32
        %parallel_loop3A_210 = arith.index_cast %parallel_loop3A_209 : i32 to index
        %parallel_loop3A_211 = arith.index_cast %parallel_loop3A_125 : i32 to index
        %parallel_loop3A_212 = arith.constant 0 : index
        %parallel_loop3A_213 = tpu.vector_load %arg7[%parallel_loop3A_210, %parallel_loop3A_211, %parallel_loop3A_212] {strides = array<i32>} : memref<1x200x64xf32, #tpu.memory_space<vmem>>, vector<1x1x16xf32>,
        %parallel_loop3A_214 = vector.shape_cast %parallel_loop3A_213 : vector<1x1x16xf32> to vector<16xf32>
        %parallel_loop3A_215 = vector.shape_cast %parallel_loop3A_208 : vector<16xf32> to vector<1x1x16xf32>
        tpu.vector_store %arg7[%parallel_loop3A_210, %parallel_loop3A_211, %parallel_loop3A_212], %parallel_loop3A_215 {strides = array<i32>} : memref<1x200x64xf32, #tpu.memory_space<vmem>>, vector<1x1x16xf32>,
        %parallel_loop3A_216 = arith.constant 1 : i32
        %parallel_loop3A_217 = arith.index_cast %parallel_loop3A_216 : i32 to index
        %parallel_loop3A_218 = arith.index_cast %parallel_loop3A_125 : i32 to index
        %parallel_loop3A_219 = arith.constant 16 : index
        %parallel_loop3A_220 = tpu.vector_load %arg6[%parallel_loop3A_217, %parallel_loop3A_218, %parallel_loop3A_219] {strides = array<i32>} : memref<2x200x128xf32, #tpu.memory_space<vmem>>, vector<1x1x16xf32>,
        %parallel_loop3A_221 = vector.shape_cast %parallel_loop3A_220 : vector<1x1x16xf32> to vector<16xf32>
        %parallel_loop3A_222 = arith.index_cast %parallel_loop3A_121 : i32 to index
        %parallel_loop3A_223 = arith.constant 80 : index
        %parallel_loop3A_224 = tpu.vector_load %arg8[%parallel_loop3A_222, %parallel_loop3A_223] {strides = array<i32>} : memref<100x128xf32, #tpu.memory_space<vmem>>, vector<1x16xf32>,
        %parallel_loop3A_225 = vector.shape_cast %parallel_loop3A_224 : vector<1x16xf32> to vector<16xf32>
        %parallel_loop3A_226 = arith.addf %parallel_loop3A_221, %parallel_loop3A_225 : vector<16xf32>
        %parallel_loop3A_227 = arith.constant 0 : i32
        %parallel_loop3A_228 = arith.index_cast %parallel_loop3A_227 : i32 to index
        %parallel_loop3A_229 = arith.index_cast %parallel_loop3A_125 : i32 to index
        %parallel_loop3A_230 = arith.constant 16 : index
        %parallel_loop3A_231 = tpu.vector_load %arg7[%parallel_loop3A_228, %parallel_loop3A_229, %parallel_loop3A_230] {strides = array<i32>} : memref<1x200x64xf32, #tpu.memory_space<vmem>>, vector<1x1x16xf32>,
        %parallel_loop3A_232 = vector.shape_cast %parallel_loop3A_231 : vector<1x1x16xf32> to vector<16xf32>
        %parallel_loop3A_233 = vector.shape_cast %parallel_loop3A_226 : vector<16xf32> to vector<1x1x16xf32>
        tpu.vector_store %arg7[%parallel_loop3A_228, %parallel_loop3A_229, %parallel_loop3A_230], %parallel_loop3A_233 {strides = array<i32>} : memref<1x200x64xf32, #tpu.memory_space<vmem>>, vector<1x1x16xf32>,
        %parallel_loop3A_234 = arith.constant 1 : i32
        %parallel_loop3A_235 = arith.index_cast %parallel_loop3A_234 : i32 to index
        %parallel_loop3A_236 = arith.index_cast %parallel_loop3A_125 : i32 to index
        %parallel_loop3A_237 = arith.constant 32 : index
        %parallel_loop3A_238 = tpu.vector_load %arg6[%parallel_loop3A_235, %parallel_loop3A_236, %parallel_loop3A_237] {strides = array<i32>} : memref<2x200x128xf32, #tpu.memory_space<vmem>>, vector<1x1x16xf32>,
        %parallel_loop3A_239 = vector.shape_cast %parallel_loop3A_238 : vector<1x1x16xf32> to vector<16xf32>
        %parallel_loop3A_240 = arith.index_cast %parallel_loop3A_121 : i32 to index
        %parallel_loop3A_241 = arith.constant 96 : index
        %parallel_loop3A_242 = tpu.vector_load %arg8[%parallel_loop3A_240, %parallel_loop3A_241] {strides = array<i32>} : memref<100x128xf32, #tpu.memory_space<vmem>>, vector<1x16xf32>,
        %parallel_loop3A_243 = vector.shape_cast %parallel_loop3A_242 : vector<1x16xf32> to vector<16xf32>
        %parallel_loop3A_244 = arith.addf %parallel_loop3A_239, %parallel_loop3A_243 : vector<16xf32>
        %parallel_loop3A_245 = arith.constant 0 : i32
        %parallel_loop3A_246 = arith.index_cast %parallel_loop3A_245 : i32 to index
        %parallel_loop3A_247 = arith.index_cast %parallel_loop3A_125 : i32 to index
        %parallel_loop3A_248 = arith.constant 32 : index
        %parallel_loop3A_249 = tpu.vector_load %arg7[%parallel_loop3A_246, %parallel_loop3A_247, %parallel_loop3A_248] {strides = array<i32>} : memref<1x200x64xf32, #tpu.memory_space<vmem>>, vector<1x1x16xf32>,
        %parallel_loop3A_250 = vector.shape_cast %parallel_loop3A_249 : vector<1x1x16xf32> to vector<16xf32>
        %parallel_loop3A_251 = vector.shape_cast %parallel_loop3A_244 : vector<16xf32> to vector<1x1x16xf32>
        tpu.vector_store %arg7[%parallel_loop3A_246, %parallel_loop3A_247, %parallel_loop3A_248], %parallel_loop3A_251 {strides = array<i32>} : memref<1x200x64xf32, #tpu.memory_space<vmem>>, vector<1x1x16xf32>,
        %parallel_loop3A_252 = arith.constant 1 : i32
        %parallel_loop3A_253 = arith.index_cast %parallel_loop3A_252 : i32 to index
        %parallel_loop3A_254 = arith.index_cast %parallel_loop3A_125 : i32 to index
        %parallel_loop3A_255 = arith.constant 48 : index
        %parallel_loop3A_256 = tpu.vector_load %arg6[%parallel_loop3A_253, %parallel_loop3A_254, %parallel_loop3A_255] {strides = array<i32>} : memref<2x200x128xf32, #tpu.memory_space<vmem>>, vector<1x1x16xf32>,
        %parallel_loop3A_257 = vector.shape_cast %parallel_loop3A_256 : vector<1x1x16xf32> to vector<16xf32>
        %parallel_loop3A_258 = arith.index_cast %parallel_loop3A_121 : i32 to index
        %parallel_loop3A_259 = arith.constant 112 : index
        %parallel_loop3A_260 = tpu.vector_load %arg8[%parallel_loop3A_258, %parallel_loop3A_259] {strides = array<i32>} : memref<100x128xf32, #tpu.memory_space<vmem>>, vector<1x16xf32>,
        %parallel_loop3A_261 = vector.shape_cast %parallel_loop3A_260 : vector<1x16xf32> to vector<16xf32>
        %parallel_loop3A_262 = arith.addf %parallel_loop3A_257, %parallel_loop3A_261 : vector<16xf32>
        %parallel_loop3A_263 = arith.constant 0 : i32
        %parallel_loop3A_264 = arith.index_cast %parallel_loop3A_263 : i32 to index
        %parallel_loop3A_265 = arith.index_cast %parallel_loop3A_125 : i32 to index
        %parallel_loop3A_266 = arith.constant 48 : index
        %parallel_loop3A_267 = tpu.vector_load %arg7[%parallel_loop3A_264, %parallel_loop3A_265, %parallel_loop3A_266] {strides = array<i32>} : memref<1x200x64xf32, #tpu.memory_space<vmem>>, vector<1x1x16xf32>,
        %parallel_loop3A_268 = vector.shape_cast %parallel_loop3A_267 : vector<1x1x16xf32> to vector<16xf32>
        %parallel_loop3A_269 = vector.shape_cast %parallel_loop3A_262 : vector<16xf32> to vector<1x1x16xf32>
        tpu.vector_store %arg7[%parallel_loop3A_264, %parallel_loop3A_265, %parallel_loop3A_266], %parallel_loop3A_269 {strides = array<i32>} : memref<1x200x64xf32, #tpu.memory_space<vmem>>, vector<1x1x16xf32>,
      } {sc.loop_unroll_factor = 2 : i64, sc.parallel_access}
      %add3A_114 = arith.addi %mul3A_2, %add3A_84 : i32
      %dma_start3A_115 = arith.constant 0 : i32
      %dma_start3A_116 = arith.constant 0 : i32
      %dma_start3A_117 = tpu.memref_slice %arg5[%add3A_114, %dma_start3A_115, %dma_start3A_116] : memref<4096x200x64xf32, #tpu.memory_space<hbm>> -> memref<1x200x64xf32, #tpu.memory_space<hbm>>
      %dma_start3A_118 = arith.constant 0 : i32
      %dma_start3A_119 = arith.constant 0 : i32
      %dma_start3A_120 = tpu.memref_slice %arg5[%add3A_114, %dma_start3A_118, %dma_start3A_119] : memref<4096x200x64xf32, #tpu.memory_space<hbm>> -> memref<1x200x64xf32, #tpu.memory_space<hbm>>
      tpu.enqueue_dma source(%arg7 : memref<1x200x64xf32, #tpu.memory_space<vmem>>) target(%dma_start3A_120 : memref<1x200x64xf32, #tpu.memory_space<hbm>>) target_semaphore(%arg11 : memref<!tpu.dma_semaphore, #tpu.memory_space<semaphore_mem>>)
    }
    %scan3A_40 = arith.constant 64 : i32
    %add3A_41 = arith.constant 128 : i32
    %add3A_42 = arith.addi %mul3A_2, %add3A_41 : i32
    %sub3A = arith.constant 1 : i32
    %sub3A_43 = arith.subi %add3A_42, %sub3A : i32
    %dma_wait3A = arith.constant 0 : i32
    %dma_wait3A_44 = arith.constant 0 : i32
    %dma_wait3A_45 = tpu.memref_slice %arg5[%sub3A_43, %dma_wait3A, %dma_wait3A_44] : memref<4096x200x64xf32, #tpu.memory_space<hbm>> -> memref<1x200x64xf32, #tpu.memory_space<hbm>>
    %dma_wait3A_46 = arith.constant 0 : i32
    %dma_wait3A_47 = arith.constant 0 : i32
    %dma_wait3A_48 = tpu.memref_slice %arg5[%sub3A_43, %dma_wait3A_46, %dma_wait3A_47] : memref<4096x200x64xf32, #tpu.memory_space<hbm>> -> memref<1x200x64xf32, #tpu.memory_space<hbm>>
    tpu.wait_dma2 semaphore(%arg11 : memref<!tpu.dma_semaphore, #tpu.memory_space<semaphore_mem>>) src(%arg7 : memref<1x200x64xf32, #tpu.memory_space<vmem>>) dst(%dma_wait3A_48 : memref<1x200x64xf32, #tpu.memory_space<hbm>>)
    return
  }
}

</mosaic_0001>

<sc_bundles>
// kernel: kernel.3.cloned.1.call-start
scs
__scs_entry_jumppad:
0x0: {  	(pc) =	sbr.rel $0x88, $3  }
0x1: {  	(tag) =	ssettag $0x0;
	lr =	simm.s32 $0x1  }
0x2: {  	[smem:$0x3F9F] =	sst lr;
	_ =	strace $0xD0000000  }
0x3: {  	_ = 	snop  }
0x4: {  	_ = 	snop  }
0x5: {  	_ = 	snop  }
0x6: {  	_ = 	snop  }
0x7: {  	_ = 	snop  }
__scs_overlays_trampoline_lowered:
0x8: {  	[smem:$0x3FAE] =	sst s0  }
0x9: {  	[smem:$0x3FAF] =	sst s1  }
0xa: {  	[smem:$0x3FB0] =	sst s2  }
0xb: {  	[smem:$0x3FB1] =	sst s3  }
0xc: {  	[smem:$0x3FB2] =	sst s4  }
0xd: {  	[smem:$0x3FB3] =	sst s5  }
0xe: {  	[smem:$0x3FB4] =	sst s6  }
0xf: {  	[smem:$0x3FB5] =	sst s7  }
0x10: {  	[smem:$0x3FB6] =	sst s8  }
0x11: {  	[smem:$0x3FB7] =	sst s9;
	s0 =	simm.s32 @!p0 $0x0  }
0x12: {  	s1 =	sld [smem:$0x3F9D];
	s0 =	simm.s32 @p0 $0x1  }
0x13: {  	[smem:$0x3FB8] =	sst s0;
	s0 =	simm.s32 @!p1 $0x0  }
0x14: {  	s2 =	sld [smem:$0x3F9C];
	s0 =	simm.s32 @p1 $0x1  }
0x15: {  	[smem:$0x3FB9] =	sst s0;
	s0 =	simm.s32 @!p2 $0x0  }
0x16: {  	s3 =	sld [smem:$0x3FDB];
	s0 =	simm.s32 @p2 $0x1  }
0x17: {  	s4 =	simm.s32 $0x1BF5;
	[smem:$0x3FBB] =	sst s0  }
0x18: {  	s0 =	sld [smem:$0x3F9E];
	_ =	swait.ge [sflag:s4], $0x0  }
0x19: {  	s7 =	sld [smem:$0x3F9F]  }
0x1a: {  	s8 =	sadd.s32 $0xFFFFE003, lr  }
0x1b: {  	s9 =	sadd.s32 $0xFFFFFEF7, lr;
	s5 =	simm.s32 $0xFFFFFFFF;
	p2 =	slt.u32 s8, $0xFFFFF086  }
0x1c: {  	p1 =	slt.u32 s9, $0xF7A;
	s5 =	simm.s32 @!p2 $0x0  }
0x1d: {  	s5 =	simm.s32 @p1 $0x1;
	p0 =	seq.s32 s7, s2  }
0x1e: {  	s7 =	smul.u32 @!p0 $0xF7A, s2;
	p2 =	seq.s32 @!p0 s5, $0x0  }
0x1f: {  	s9 =	smul.u32 $0xF7A, s1;
	s8 =	simm.s32 @!p0 $0x1BF5;
	p2 =	por !p2, p0  }
0x20: {  	[sflag:s8] =	ssyncset.s32 @!p0 $0xFFFFF086;
	s6 =	sadd.s32 @!p0 s3, s7;
	s7 =	simm.s32 @!p0 $0x108  }
0x21: {  	s3 =	sadd.s32 s3, s9;
	s6 =	sadd.s32 @!p0 $0x88, s6;
	s7 =	simm.s32 @p2 $0x1082  }
0x22: {  	[simem:s7], [sflag:s8] =	dma.local @!p0 [hbm:s6], $0xF7A  }
0x23: {  	s9 =	sor.u32 $0xD0000000, s2;
	s6 =	simm.s32 $0x108;
	_ =	swait.ge @!p0 [sflag:s8], $0x0  }
0x24: {  	s3 =	sadd.s32 $0x88, s3;
	s6 =	simm.s32 @!p1 $0x1082;
	[sflag:s4] =	ssyncset.s32 $0xFFFFF086  }
0x25: {  	[simem:s6], [sflag:s4] =	dma.local [hbm:s3], $0xF7A  }
0x26: {  	[smem:$0x3F9F] =	sst s1;
	(tag) =	ssettag s2;
	_ =	strace s9  }
0x27: {  	s1 =	sld [smem:$0x3FAF]  }
0x28: {  	s2 =	sld [smem:$0x3FB0]  }
0x29: {  	s4 =	sld [smem:$0x3FB2]  }
0x2a: {  	p0 =	seq.s32 s5, $0x0;
	s5 =	sld [smem:$0x3FB3]  }
0x2b: {  	s6 =	sld [smem:$0x3FB4]  }
0x2c: {  	s7 =	sld [smem:$0x3FB5]  }
0x2d: {  	s3 =	simm.s32 $0x108;
	s8 =	sld [smem:$0x3FB6]  }
0x2e: {  	s3 =	simm.s32 @!p0 $0x1082;
	s9 =	sld [smem:$0x3FB7]  }
0x2f: {  	lr =	sadd.s32 s0, s3;
	s0 =	sld [smem:$0x3FAE]  }
0x30: {  	s3 =	sld [smem:$0x3FB1]  }
0x31: {  	[smem:$0x3FBA] =	sst s10  }
0x32: {  	s10 =	sld [smem:$0x3FB8];
	_ =	sdelay $0x3  }
0x33: {  	p0 =	seq.s32 s10, $0x1;
	s10 =	sld [smem:$0x3FBA];
	_ =	sdelay $0x3  }
0x34: {  	[smem:$0x3FBA] =	sst s10  }
0x35: {  	s10 =	sld [smem:$0x3FB9];
	_ =	sdelay $0x3  }
0x36: {  	p1 =	seq.s32 s10, $0x1;
	s10 =	sld [smem:$0x3FBA];
	_ =	sdelay $0x3  }
0x37: {  	[smem:$0x3FBA] =	sst s10  }
0x38: {  	s10 =	sld [smem:$0x3FBB]  }
0x39: {  	_ = 	snop;
	(pc) =	sbr.ind lr, $3  }
0x3a: {  	_ = 	snop  }
0x3b: {  	_ = 	snop  }
0x3c: {  	p2 =	seq.s32 s10, $0x1;
	s10 =	sld [smem:$0x3FBA]  }
0x3d: {  	_ =	shalt  }
0x3e: {  	_ =	shalt  }
0x3f: {  	_ =	shalt  }
0x40: {  	_ =	shalt  }
0x41: {  	_ =	shalt  }
0x42: {  	_ =	shalt  }
0x43: {  	_ =	shalt  }
0x44: {  	_ =	shalt  }
0x45: {  	_ =	shalt  }
0x46: {  	_ =	shalt  }
0x47: {  	_ =	shalt  }
0x48: {  	_ =	shalt  }
0x49: {  	_ =	shalt  }
0x4a: {  	_ =	shalt  }
0x4b: {  	_ =	shalt  }
0x4c: {  	_ =	shalt  }
0x4d: {  	_ =	shalt  }
0x4e: {  	_ =	shalt  }
0x4f: {  	_ =	shalt  }
0x50: {  	_ =	shalt  }
0x51: {  	_ =	shalt  }
0x52: {  	_ =	shalt  }
0x53: {  	_ =	shalt  }
0x54: {  	_ =	shalt  }
0x55: {  	_ =	shalt  }
0x56: {  	_ =	shalt  }
0x57: {  	_ =	shalt  }
0x58: {  	_ =	shalt  }
0x59: {  	_ =	shalt  }
0x5a: {  	_ =	shalt  }
0x5b: {  	_ =	shalt  }
0x5c: {  	_ =	shalt  }
0x5d: {  	_ =	shalt  }
0x5e: {  	_ =	shalt  }
0x5f: {  	_ =	shalt  }
0x60: {  	_ =	shalt  }
0x61: {  	_ =	shalt  }
0x62: {  	_ =	shalt  }
0x63: {  	_ =	shalt  }
0x64: {  	_ =	shalt  }
0x65: {  	_ =	shalt  }
0x66: {  	_ =	shalt  }
0x67: {  	_ =	shalt  }
0x68: {  	_ =	shalt  }
0x69: {  	_ =	shalt  }
0x6a: {  	_ =	shalt  }
0x6b: {  	_ =	shalt  }
0x6c: {  	_ =	shalt  }
0x6d: {  	_ =	shalt  }
0x6e: {  	_ =	shalt  }
0x6f: {  	_ =	shalt  }
0x70: {  	_ =	shalt  }
0x71: {  	_ =	shalt  }
0x72: {  	_ =	shalt  }
0x73: {  	_ =	shalt  }
0x74: {  	_ =	shalt  }
0x75: {  	_ =	shalt  }
0x76: {  	_ =	shalt  }
0x77: {  	_ =	shalt  }
0x78: {  	_ =	shalt  }
0x79: {  	_ =	shalt  }
0x7a: {  	_ =	shalt  }
0x7b: {  	_ =	shalt  }
0x7c: {  	_ =	shalt  }
0x7d: {  	_ =	shalt  }
0x7e: {  	_ =	shalt  }
0x7f: {  	_ =	shalt  }
0x80: {  	_ =	shalt  }
0x81: {  	_ =	shalt  }
0x82: {  	_ =	shalt  }
0x83: {  	_ =	shalt  }
0x84: {  	_ =	shalt  }
0x85: {  	_ =	shalt  }
0x86: {  	_ =	shalt  }
0x87: {  	_ =	shalt  }
.Lfunc_end0:
.L_simem_size_0:
called_computation_lowered:
.L_overlay_start_0:
0x88: {  	s2 =	sld [smem:$0x3FD9]  }
0x89: {  	s3 =	sld [smem:$0x3FFE];
	_ =	sdelay $0x1  }
0x8a: {  	s1 =	srdreg.scid  }
0x8b: {  	s0 =	sand.u32 $0x1, s1  }
0x8c: {  	s17 =	sshll.u32 s0, $0xA;
	s2 =	sadd.s32 s3, s2  }
0x8d: {  	s2 =	sadd.s32 s2, s17  }
0x8e: {  	[smem:$0x3FC6] =	sst s2  }
0x8f: {  	_ = 	snop  }
0x90: {  	s2 =	sld [smem:$0x3FD0];
	(tm) =	ssettm $0x1  }
0x91: {  	s18 =	sld [smem:$0x3FFB];
	_ =	sdelay $0x3  }
0x92: {  	_ =	strace s18  }
0x93: {  	s3 =	sld [smem:$0x3FFC];
	_ =	sdelay $0x3  }
0x94: {  	_ =	strace s3  }
0x95: {  	s3 =	sld [smem:$0x3FFD];
	_ =	sdelay $0x3  }
0x96: {  	_ =	strace s3  }
0x97: {  	_ =	strace $0x8FFFFFFF  }
0x98: {  	s19 =	sld [smem:$0x3FDB];
	_ =	sdelay $0x1  }
0x99: {  	s4 =	simm.s32 $_scs_section_size  }
0x9a: {  	s5 =	simm.s32 $_size__tile_overlayer_lowered;
	s6 =	simm.s32 $_tile_overlayer_lowered  }
0x9b: {  	s22 =	simm.s32 $0x1BFF;
	s21 =	sshll.u32 s6, $0x1;
	s3 =	sadd.s32 s4, s19  }
0x9c: {  	s7 =	simm.s32 $0x0;
	s20 =	sshll.u32 s5, $0x1;
	s5 =	sadd.s32 s21, s3  }
0x9d: {  	[timem:s7], [sflag:s22] =	dma.local [hbm:s5], s20  }
0x9e: {  	_ =	swait.ge [sflag:s22], s20  }
0x9f: {  	s4 =	ssub.s32 $0x0, s20;
	[sflag:s22] =	ssyncset.done $0x0  }
0xa0: {  	[sflag:s22] =	ssyncadd.s32 s4;
	_ =	sdelay $0x1  }
0xa1: {  	s23 =	simm.s32 $0x1B8B  }
0xa2: {  	_ =	swait.ge [sflag:s23], $0x1  }
0xa3: {  	[sflag:s23] =	ssyncset.done $0x0  }
0xa4: {  	s25 =	simm.s32 $0x1B8E;
	s24 =	sld [smem:$0x3FFE];
	[sflag:s23] =	ssyncadd.s32 $0xFFFFFFFF  }
0xa5: {  	s26 =	simm.s32 $execute0_lowered;
	[smem:$0x3FD2] =	sst s25  }
0xa6: {  	s5 =	sshll.u32 s26, $0x1;
	_ =	strace $0x80000046;
	[dreg:$0x1] =	wrdreg $0xFFFFFFFF  }
0xa7: {  	s28 =	simm.s32 $_size_execute0_lowered;
	s3 =	sadd.s32 s3, s5;
	[dreg:$0x0] =	wrdreg $0x0  }
0xa8: {  	s5 =	sshll.u32 s28, $0x1;
	[dreg:$0x2] =	wrdreg s3  }
0xa9: {  	[dreg:$0x3] =	wrdreg s5  }
0xaa: {  	[dreg:$0x4] =	wrdreg $0xC0  }
0xab: {  	_ =	task [dreg:s7], $0x5FFFF  }
0xac: {  	[dreg:$0x1] =	wrdreg $0xFFFFFFFF  }
0xad: {  	[dreg:$0x0] =	wrdreg $0x60  }
0xae: {  	[dreg:$0x2] =	wrdreg s2  }
0xaf: {  	[dreg:$0x3] =	wrdreg s24  }
0xb0: {  	[dreg:$0x4] =	wrdreg $0x9  }
0xb1: {  	_ =	task.clear_ibuf [dreg:s7], $0x5FFFF;
	_ =	strace $0x90000046  }
0xb2: {  	s29 =	simm.s32 $0x9;
	_ =	strace $0x80000048  }
0xb3: {  	_ =	swait.ge [sflag:s29], $0x1  }
0xb4: {  	[sflag:s29] =	ssyncadd.s32 $0xFFFFFFFF  }
0xb5: {  	_ =	strace $0x90000048  }
0xb6: {  	_ =	sfence  }
0xb7: {  	s30 =	sld [smem:$0x0];
	_ =	sdelay $0x2  }
0xb8: {  	s31 =	sshll.u32 s1, $0xD;
	s1 =	sshrl.u32 s1, $0x2  }
0xb9: {  	s3 =	sand.u32 $0x4000, s31;
	s1 =	sadd.s32 s1, s30  }
0xba: {  	s0 =	sor.u32 s3, s0;
	s1 =	sshll.u32 s1, $0x11  }
0xbb: {  	s0 =	sor.u32 s1, s0  }
0xbc: {  	s0 =	sadd.s32 $0x8F2B, s0  }
0xbd: {  	[sflag:s0] =	ssyncadd.remote.s32 $0x1  }
0xbe: {  	_ =	sfence.sel $0xFFFF  }
0xbf: {  	[dreg:$0x0] =	wrdreg $0xFFFFFFFF;
	(pc) =	sbr.abs _section_cstart, $3  }
0xc0: {  	[dreg:$0x1] =	wrdreg $0xFFFFFFFF  }
0xc1: {  	_ =	task.clear_ibuf [dreg:s7], $0x2FFFF;
	_ =	strace $0x9FFFFFFF  }
0xc2: {  	(tm) =	ssettm $0x7FFFFFFF  }
0xc3: {  	_ =	shalt  }
tec
execute0_lowered:
.L_overlay_start_1:
0x0: {  	(tag) =	ssettag $0x1  }
0x1: {  	s0 =	rddreg [dreg:$0x0]  }
0x2: {  	s1 =	rddreg [dreg:$0x1];
	s2 =	simm.s32 $0x0;
	s3 =	srdreg.scid  }
0x3: {  	s5 =	stileid.u32;
	s10 =	simm.s32 $0x4;
	s11 =	simm.s32 $0x16000  }
0x4: {  	s12 =	simm.s32 $0x68;
	s13 =	simm.s32 $0x60;
	s16 =	simm.s32 $0x6400  }
0x5: {  	s17 =	simm.s32 $0x9800;
	s18 =	simm.s32 $0x1;
	s19 =	simm.s32 $0xC800  }
0x6: {  	s20 =	simm.s32 $0x2;
	s21 =	simm.s32 $0x3;
	s22 =	simm.s32 $0x0  }
0x7: {  	[smem:$0x7FF] =	sst s2;
	s4 =	sand.u32 $0x1, s3;
	s30 =	sshll.u32 s5, $0x1  }
0x8: {  	s3 =	sadd.s32 $0xF42C00, s1;
	s6 =	sor.u32 s4, s30;
	s7 =	ssub.s32 $0x2, s4  }
0x9: {  	s5 =	sadd.s32 $0x1000, s1;
	s8 =	smul.u32 $0xC80, s6;
	s31 =	sshrl.u32 s7, $0x1  }
0xa: {  	_ =	strace $0x80000047;
	s4 =	sadd.s32 $0x800, s1;
	s1 =	ssub.s32 s7, s31  }
0xb: {  	s6 =	sshll.u32 s6, $0x7;
	s7 =	sadd.s32 s0, s8;
	s8 =	smax.u32 s1, $0x1  }
.LBB2_1:
0xc: {  	s0 =	simm.s32 $0x12C00  }
0xd: {  	[tilespmem:s0], [sflag:$0x4] =	stream.linear.gather [hbm4b:s4+s2], $0x3200, $0x38;
	[tilespmem:$0x1C400] =	vst v63  }
0xe: {  	_ =	swait.ge [sflag:s10], $0x3200  }
0xf: {  	[sflag:s10] =	ssyncset.done $0x0  }
0x10: {  	[sflag:s10] =	ssyncadd.s32 $0xFFFFCE00  }
0x11: {  	[tilespmem:s11], [sflag:$0x4] =	stream.linear.gather [hbm4b:s7+s2], $0x6400, $0x38;
	[tilespmem:$0x1C400] =	vst v63  }
0x12: {  	_ =	swait.ge [sflag:s10], $0x6400  }
0x13: {  	[sflag:s10] =	ssyncset.done $0x0  }
0x14: {  	[sflag:s10] =	ssyncadd.s32 $0xFFFF9C00  }
0x15: {  	[tilespmem:s2], [sflag:$0x1] =	stream.indirect.gather [hbm4b:s3+s12], $0x80, s11, s12, $0xb8;
	[tilespmem:$0x1C400] =	vst v63  }
0x16: {  	s31 =	simm.s32 $0x16068;
	s1 =	simm.s32 $0x3400;
	s23 =	simm.s32 $0x0  }
0x17: {  	[tilespmem:s1], [sflag:$0x1] =	stream.indirect.gather [hbm4b:s3+s13], $0x80, s31, s13, $0xb8;
	[tilespmem:$0x1C400] =	vst v63  }
.LBB2_2:
0x18: {  	s24 =	sshllo.u32 s23, $0x1  }
0x19: {  	s0 =	smul.u32 $0x320, s24;
	_ =	sdelay $0x1  }
0x1a: {  	s0 =	sshra.s32 s0, $0x2  }
0x1b: {  	s1 =	sadd.s32 $0x16000, s0  }
0x1c: {  	[tilespmem:s16], [sflag:$0x2] =	stream.indirect.gather [hbm4b:s3+s12], $0x80, s1, s12, $0xb8;
	[tilespmem:$0x1C400] =	vst v63  }
0x1d: {  	s0 =	sadd.s32 $0x16068, s0  }
0x1e: {  	[tilespmem:s17], [sflag:$0x2] =	stream.indirect.gather [hbm4b:s3+s13], $0x80, s0, s13, $0xb8;
	[tilespmem:$0x1C400] =	vst v63  }
0x1f: {  	_ =	swait.ge [sflag:s18], $0x6400  }
0x20: {  	p0 =	seq.s32 s23, $0x0;
	[sflag:s18] =	ssyncset.done $0x0  }
0x21: {  	s0 =	simm.s32 @!p0 $0x3;
	[sflag:s18] =	ssyncadd.s32 $0xFFFF9C00  }
0x22: {  	_ =	swait.ge @!p0 [sflag:s0], $0x6400  }
0x23: {  	[sflag:s0] =	ssyncset.done @!p0 $0x0  }
0x24: {  	s9 =	simm.s32 $0x100;
	[sflag:s0] =	ssyncadd.s32 @!p0 $0xFFFF9C00  }
0x25: {  	s15 =	simm.s32 $0x12C80;
	v0 =	vld [tilespmem:s9+$0x0]  }
0x26: {  	v1 =	vld [tilespmem:s15+$0x0];
	_ =	sdelay $0x4  }
0x27: {  	v0 =	vadd.f32 v1, v0  }
0x28: {  	s25 =	simm.s32 $0xC900  }
0x29: {  	[tilespmem:s25+$0x0] =	vst v0  }
0x2a: {  	v0 =	vld [tilespmem:s9+$0x10]  }
0x2b: {  	v1 =	vld [tilespmem:s15+$0x10]  }
0x2c: {  	v2 =	vld [tilespmem:s15+$0xFFFFFF80]  }
0x2d: {  	v3 =	vld [tilespmem:s9+$0xFFFFFF00];
	_ =	sdelay $0x2  }
0x2e: {  	v0 =	vadd.f32 v1, v0;
	_ =	sdelay $0x1  }
0x2f: {  	[tilespmem:s25+$0x10] =	vst v0;
	v0 =	vadd.f32 v2, v3  }
0x30: {  	v1 =	vld [tilespmem:s9+$0x20]  }
0x31: {  	v2 =	vld [tilespmem:s15+$0x20];
	[tilespmem:s25+$0xFFFFFF00] =	vst v0  }
0x32: {  	v0 =	vld [tilespmem:s9+$0xFFFFFF10]  }
0x33: {  	v3 =	vld [tilespmem:s15+$0xFFFFFF90];
	_ =	sdelay $0x2  }
0x34: {  	v1 =	vadd.f32 v2, v1;
	_ =	sdelay $0x1  }
0x35: {  	[tilespmem:s25+$0x20] =	vst v1;
	v0 =	vadd.f32 v3, v0  }
0x36: {  	v1 =	vld [tilespmem:s9+$0x30]  }
0x37: {  	v2 =	vld [tilespmem:s15+$0x30];
	[tilespmem:s25+$0xFFFFFF10] =	vst v0  }
0x38: {  	v0 =	vld [tilespmem:s9+$0xFFFFFF20]  }
0x39: {  	s28 =	simm.s32 $0x300;
	v3 =	vld [tilespmem:s15+$0xFFFFFFA0]  }
0x3a: {  	s29 =	simm.s32 $0x12D80;
	v4 =	vld [tilespmem:s28+$0x0]  }
0x3b: {  	v5 =	vld [tilespmem:s29+$0x0]  }
0x3c: {  	v6 =	vld [tilespmem:s28+$0xFFFFFF00];
	v1 =	vadd.f32 v2, v1  }
0x3d: {  	v2 =	vld [tilespmem:s29+$0xFFFFFF80]  }
0x3e: {  	[tilespmem:s25+$0x30] =	vst v1;
	v0 =	vadd.f32 v3, v0  }
0x3f: {  	v1 =	vld [tilespmem:s9+$0x80]  }
0x40: {  	v3 =	vld [tilespmem:s15+$0x40];
	[tilespmem:s25+$0xFFFFFF20] =	vst v0;
	v0 =	vadd.f32 v5, v4  }
0x41: {  	s26 =	simm.s32 $0xCB00;
	v4 =	vld [tilespmem:s9+$0xFFFFFF30]  }
0x42: {  	v5 =	vld [tilespmem:s15+$0xFFFFFFB0];
	v2 =	vadd.f32 v2, v6;
	[tilespmem:s26+$0x0] =	vst v0  }
0x43: {  	v0 =	vld [tilespmem:s28+$0x10]  }
0x44: {  	[tilespmem:s26+$0xFFFFFF00] =	vst v2;
	v2 =	vld [tilespmem:s29+$0x10]  }
0x45: {  	v1 =	vadd.f32 v3, v1;
	v3 =	vld [tilespmem:s28+$0xFFFFFF10]  }
0x46: {  	v6 =	vld [tilespmem:s29+$0xFFFFFF90]  }
0x47: {  	[tilespmem:s25+$0x80] =	vst v1;
	v1 =	vadd.f32 v5, v4  }
0x48: {  	v4 =	vld [tilespmem:s9+$0x90]  }
0x49: {  	v5 =	vld [tilespmem:s15+$0x50];
	[tilespmem:s25+$0xFFFFFF30] =	vst v1;
	v0 =	vadd.f32 v2, v0  }
0x4a: {  	v1 =	vld [tilespmem:s9+$0xFFFFFF80]  }
0x4b: {  	v2 =	vld [tilespmem:s15+$0xFFFFFFC0];
	v3 =	vadd.f32 v6, v3;
	[tilespmem:s26+$0x10] =	vst v0  }
0x4c: {  	v0 =	vld [tilespmem:s28+$0x20]  }
0x4d: {  	[tilespmem:s26+$0xFFFFFF10] =	vst v3;
	v3 =	vld [tilespmem:s29+$0x20]  }
0x4e: {  	v4 =	vadd.f32 v5, v4;
	v5 =	vld [tilespmem:s28+$0xFFFFFF20]  }
0x4f: {  	v6 =	vld [tilespmem:s29+$0xFFFFFFA0]  }
0x50: {  	s0 =	simm.s32 $0x12E80  }
0x51: {  	v8 =	vld [tilespmem:s0+$0x0];
	[tilespmem:s25+$0x90] =	vst v4  }
0x52: {  	v1 =	vadd.f32 v2, v1;
	v2 =	vld [tilespmem:s9+$0xA0];
	v0 =	vadd.f32 v3, v0  }
0x53: {  	s30 =	simm.s32 $0x500;
	v4 =	vld [tilespmem:s15+$0x60]  }
0x54: {  	v9 =	vld [tilespmem:s30+$0xFFFFFF00];
	v5 =	vadd.f32 v6, v5;
	[tilespmem:s26+$0x20] =	vst v0  }
0x55: {  	[tilespmem:s25+$0xFFFFFF80] =	vst v1;
	v0 =	vld [tilespmem:s28+$0x30]  }
0x56: {  	[tilespmem:s26+$0xFFFFFF20] =	vst v5;
	v5 =	vld [tilespmem:s29+$0x30]  }
0x57: {  	v1 =	vld [tilespmem:s9+$0xFFFFFF90]  }
0x58: {  	v3 =	vld [tilespmem:s15+$0xFFFFFFD0];
	v2 =	vadd.f32 v4, v2  }
0x59: {  	v6 =	vld [tilespmem:s30+$0x0]  }
0x5a: {  	v4 =	vld [tilespmem:s28+$0xFFFFFF30];
	[tilespmem:s25+$0xA0] =	vst v2  }
0x5b: {  	v2 =	vld [tilespmem:s9+$0xB0];
	v0 =	vadd.f32 v5, v0  }
0x5c: {  	v7 =	vld [tilespmem:s15+$0x70]  }
0x5d: {  	v5 =	vld [tilespmem:s0+$0xFFFFFF80];
	[tilespmem:s26+$0x30] =	vst v0  }
0x5e: {  	v0 =	vadd.f32 v3, v1;
	v1 =	vld [tilespmem:s28+$0x80]  }
0x5f: {  	v3 =	vld [tilespmem:s29+$0x40]  }
0x60: {  	[tilespmem:s25+$0xFFFFFF90] =	vst v0;
	v0 =	vadd.f32 v8, v6;
	v6 =	vld [tilespmem:s29+$0xFFFFFFB0]  }
0x61: {  	s31 =	simm.s32 $0xCD00;
	v8 =	vld [tilespmem:s9+$0xFFFFFFA0]  }
0x62: {  	v5 =	vadd.f32 v5, v9;
	[tilespmem:s31+$0x0] =	vst v0;
	v0 =	vld [tilespmem:s15+$0xFFFFFFE0]  }
0x63: {  	v61 =	vld [tilespmem:s30+$0x10]  }
0x64: {  	[tilespmem:s31+$0xFFFFFF00] =	vst v5;
	v5 =	vld [tilespmem:s0+$0x10];
	v1 =	vadd.f32 v3, v1  }
0x65: {  	v3 =	vld [tilespmem:s30+$0xFFFFFF10]  }
0x66: {  	v4 =	vadd.f32 v6, v4;
	v6 =	vld [tilespmem:s0+$0xFFFFFF90];
	[tilespmem:s26+$0x80] =	vst v1  }
0x67: {  	v1 =	vld [tilespmem:s28+$0x90]  }
0x68: {  	[tilespmem:s26+$0xFFFFFF30] =	vst v4;
	v0 =	vadd.f32 v0, v8;
	v4 =	vld [tilespmem:s29+$0x50]  }
0x69: {  	v5 =	vadd.f32 v5, v61;
	v8 =	vld [tilespmem:s28+$0xFFFFFF80]  }
0x6a: {  	v62 =	vld [tilespmem:s29+$0xFFFFFFC0];
	[tilespmem:s25+$0xFFFFFFA0] =	vst v0  }
0x6b: {  	v3 =	vadd.f32 v6, v3;
	[tilespmem:s31+$0x10] =	vst v5;
	v0 =	vld [tilespmem:s9+$0xFFFFFFB0]  }
0x6c: {  	v5 =	vld [tilespmem:s30+$0x20]  }
0x6d: {  	[tilespmem:s31+$0xFFFFFF10] =	vst v3;
	v3 =	vld [tilespmem:s0+$0x20];
	v1 =	vadd.f32 v4, v1  }
0x6e: {  	v6 =	vld [tilespmem:s30+$0xFFFFFF20]  }
0x6f: {  	v10 =	vld [tilespmem:s0+$0xFFFFFFA0];
	v4 =	vadd.f32 v62, v8;
	[tilespmem:s26+$0x90] =	vst v1  }
0x70: {  	v8 =	vld [tilespmem:s28+$0xA0]  }
0x71: {  	[tilespmem:s26+$0xFFFFFF80] =	vst v4;
	v63 =	vld [tilespmem:s29+$0x60]  }
0x72: {  	v4 =	vld [tilespmem:s29+$0xFFFFFFD0];
	v1 =	vadd.f32 v3, v5  }
0x73: {  	v3 =	vld [tilespmem:s28+$0xFFFFFF90]  }
0x74: {  	v5 =	vadd.f32 v10, v6;
	[tilespmem:s31+$0x20] =	vst v1;
	v1 =	vld [tilespmem:s15+$0xFFFFFFF0]  }
0x75: {  	v2 =	vadd.f32 v7, v2;
	v6 =	vld [tilespmem:s30+$0x30]  }
0x76: {  	s14 =	simm.s32 $0x4;
	[tilespmem:s31+$0xFFFFFF20] =	vst v5;
	v7 =	vld [tilespmem:s0+$0x30];
	v5 =	vadd.f32 v63, v8  }
0x77: {  	s1 =	sshll.u32 s23, $0x1;
	[tilespmem:s25+$0xB0] =	vst v2;
	s9 =	simm.s32 $0x12E80;
	s15 =	simm.s32 $0x700;
	v2 =	vld [tilespmem:s30+$0xFFFFFF30]  }
.LBB2_3:
0x78: {  	v8 =	vld [tilespmem:s15+$0x0];
	v3 =	vadd.f32 v4, v3;
	[tilespmem:s26+$0xA0] =	vst v5  }
0x79: {  	v4 =	vld [tilespmem:s28+$0xB0];
	v0 =	vadd.f32 v1, v0  }
0x7a: {  	s0 =	sadd.s32 $0x100, s0;
	[tilespmem:s26+$0xFFFFFF90] =	vst v3;
	v1 =	vld [tilespmem:s29+$0x70]  }
0x7b: {  	v3 =	vld [tilespmem:s0+$0x0];
	v5 =	vadd.f32 v7, v6;
	[tilespmem:s25+$0xFFFFFFB0] =	vst v0;
	s25 =	smov.u32 s26;
	s26 =	smov.u32 s31  }
0x7c: {  	v0 =	vld [tilespmem:s0+$0xFFFFFF80]  }
0x7d: {  	v6 =	vld [tilespmem:s15+$0xFFFFFF00];
	[tilespmem:s31+$0x30] =	vst v5  }
0x7e: {  	v5 =	vld [tilespmem:s30+$0x80]  }
0x7f: {  	v7 =	vld [tilespmem:s9+$0x40];
	v1 =	vadd.f32 v1, v4  }
0x80: {  	v3 =	vadd.f32 v3, v8;
	v4 =	vld [tilespmem:s9+$0xFFFFFFB0]  }
0x81: {  	s31 =	sadd.s32 $0x200, s31;
	v8 =	vld [tilespmem:s28+$0xFFFFFFA0];
	[tilespmem:s25+$0xB0] =	vst v1  }
0x82: {  	s14 =	sadd.s32 $0x2, s14;
	v0 =	vadd.f32 v0, v6;
	[tilespmem:s31+$0x0] =	vst v3;
	v1 =	vld [tilespmem:s29+$0xFFFFFFE0]  }
0x83: {  	p0 =	slt.u32 s14, $0x62;
	v3 =	vld [tilespmem:s15+$0x10]  }
0x84: {  	[tilespmem:s31+$0xFFFFFF00] =	vst v0;
	v0 =	vld [tilespmem:s0+$0x10];
	v5 =	vadd.f32 v7, v5  }
0x85: {  	v6 =	vld [tilespmem:s15+$0xFFFFFF10];
	v2 =	vadd.f32 v4, v2  }
0x86: {  	v4 =	vld [tilespmem:s0+$0xFFFFFF90];
	[tilespmem:s26+$0x80] =	vst v5  }
0x87: {  	[tilespmem:s26+$0xFFFFFF30] =	vst v2;
	v2 =	vld [tilespmem:s30+$0x90];
	v1 =	vadd.f32 v1, v8  }
0x88: {  	v5 =	vld [tilespmem:s9+$0x50]  }
0x89: {  	v0 =	vadd.f32 v0, v3;
	v3 =	vld [tilespmem:s30+$0xFFFFFF80];
	[tilespmem:s25+$0xFFFFFFA0] =	vst v1  }
0x8a: {  	v1 =	vld [tilespmem:s9+$0xFFFFFFC0]  }
0x8b: {  	v4 =	vadd.f32 v4, v6;
	[tilespmem:s31+$0x10] =	vst v0;
	v0 =	vld [tilespmem:s28+$0xFFFFFFB0];
	s28 =	smov.u32 s30;
	s30 =	smov.u32 s15  }
0x8c: {  	v6 =	vld [tilespmem:s15+$0x20]  }
0x8d: {  	[tilespmem:s31+$0xFFFFFF10] =	vst v4;
	v4 =	vld [tilespmem:s0+$0x20];
	v2 =	vadd.f32 v5, v2  }
0x8e: {  	v5 =	vld [tilespmem:s15+$0xFFFFFF20]  }
0x8f: {  	v7 =	vld [tilespmem:s0+$0xFFFFFFA0];
	v1 =	vadd.f32 v1, v3;
	[tilespmem:s26+$0x90] =	vst v2  }
0x90: {  	v2 =	vld [tilespmem:s28+$0xA0]  }
0x91: {  	[tilespmem:s26+$0xFFFFFF80] =	vst v1;
	v8 =	vld [tilespmem:s9+$0x60]  }
0x92: {  	v1 =	vadd.f32 v4, v6;
	v3 =	vld [tilespmem:s28+$0xFFFFFF90]  }
.Ltmp0:
0x93: {  	v4 =	vld [tilespmem:s9+$0xFFFFFFD0];
	(pc) =	sbr.rel @p0 .LBB2_3-.Ltmp0, $4  }
0x94: {  	v5 =	vadd.f32 v7, v5;
	[tilespmem:s31+$0x20] =	vst v1;
	v1 =	vld [tilespmem:s29+$0xFFFFFFF0];
	s29 =	smov.u32 s9;
	s9 =	smov.u32 s0  }
0x95: {  	v6 =	vld [tilespmem:s15+$0x30]  }
0x96: {  	[tilespmem:s31+$0xFFFFFF20] =	vst v5;
	v7 =	vld [tilespmem:s0+$0x30];
	v5 =	vadd.f32 v8, v2  }
0x97: {  	s15 =	sadd.s32 $0x200, s15;
	v2 =	vld [tilespmem:s30+$0xFFFFFF30]  }
0x98: {  	v8 =	vld [tilespmem:s9+$0xFFFFFFB0];
	_ =	sdelay $0x2  }
0x99: {  	v6 =	vadd.f32 v7, v6;
	_ =	sdelay $0x1  }
0x9a: {  	[tilespmem:s31+$0x30] =	vst v6;
	v2 =	vadd.f32 v8, v2  }
0x9b: {  	v6 =	vld [tilespmem:s30+$0x80]  }
0x9c: {  	v7 =	vld [tilespmem:s9+$0x40];
	[tilespmem:s31+$0xFFFFFF30] =	vst v2  }
0x9d: {  	v2 =	vld [tilespmem:s30+$0xFFFFFF80]  }
0x9e: {  	v8 =	vld [tilespmem:s9+$0xFFFFFFC0];
	_ =	sdelay $0x2  }
0x9f: {  	v6 =	vadd.f32 v7, v6;
	_ =	sdelay $0x1  }
0xa0: {  	[tilespmem:s31+$0x80] =	vst v6;
	v2 =	vadd.f32 v8, v2  }
0xa1: {  	v6 =	vld [tilespmem:s30+$0x90]  }
0xa2: {  	v7 =	vld [tilespmem:s9+$0x50];
	[tilespmem:s31+$0xFFFFFF80] =	vst v2  }
0xa3: {  	v2 =	vld [tilespmem:s30+$0xFFFFFF90]  }
0xa4: {  	v8 =	vld [tilespmem:s9+$0xFFFFFFD0]  }
0xa5: {  	v3 =	vadd.f32 v4, v3;
	_ =	sdelay $0x1  }
0xa6: {  	[tilespmem:s26+$0xFFFFFF90] =	vst v3;
	v3 =	vadd.f32 v7, v6  }
0xa7: {  	v4 =	vld [tilespmem:s28+$0xFFFFFFA0]  }
0xa8: {  	v6 =	vld [tilespmem:s29+$0xFFFFFFE0];
	[tilespmem:s31+$0x90] =	vst v3;
	v2 =	vadd.f32 v8, v2  }
0xa9: {  	v3 =	vld [tilespmem:s30+$0xA0]  }
0xaa: {  	v7 =	vld [tilespmem:s9+$0x60];
	[tilespmem:s31+$0xFFFFFF90] =	vst v2  }
0xab: {  	v2 =	vld [tilespmem:s30+$0xFFFFFFA0]  }
0xac: {  	v8 =	vld [tilespmem:s9+$0xFFFFFFE0]  }
0xad: {  	[tilespmem:s26+$0xA0] =	vst v5;
	v4 =	vadd.f32 v6, v4  }
0xae: {  	v5 =	vld [tilespmem:s28+$0xB0]  }
0xaf: {  	v6 =	vld [tilespmem:s29+$0x70];
	[tilespmem:s26+$0xFFFFFFA0] =	vst v4;
	v3 =	vadd.f32 v7, v3  }
0xb0: {  	v4 =	vld [tilespmem:s28+$0xFFFFFFB0]  }
0xb1: {  	v7 =	vld [tilespmem:s29+$0xFFFFFFF0];
	[tilespmem:s31+$0xA0] =	vst v3;
	v2 =	vadd.f32 v8, v2  }
0xb2: {  	v3 =	vld [tilespmem:s30+$0xB0]  }
0xb3: {  	v8 =	vld [tilespmem:s9+$0x70];
	[tilespmem:s31+$0xFFFFFFA0] =	vst v2  }
0xb4: {  	v2 =	vld [tilespmem:s30+$0xFFFFFFB0]  }
0xb5: {  	v9 =	vld [tilespmem:s9+$0xFFFFFFF0]  }
0xb6: {  	v0 =	vadd.f32 v1, v0  }
0xb7: {  	v1 =	vadd.f32 v6, v5  }
0xb8: {  	[tilespmem:s25+$0xFFFFFFB0] =	vst v0;
	v0 =	vadd.f32 v7, v4  }
0xb9: {  	s0 =	sadd.s32 s6, s1;
	[tilespmem:s26+$0xB0] =	vst v1;
	v1 =	vadd.f32 v8, v3  }
0xba: {  	s0 =	smul.u32 $0xC80, s0;
	[tilespmem:s26+$0xFFFFFFB0] =	vst v0;
	v0 =	vadd.f32 v9, v2  }
0xbb: {  	p0 =	seq.s32 s23, $0x3F;
	[tilespmem:s31+$0xB0] =	vst v1  }
0xbc: {  	s1 =	smul.u32 @!p0 $0x640, s23;
	s0 =	sadd.s32 s5, s0;
	[tilespmem:s31+$0xFFFFFFB0] =	vst v0  }
0xbd: {  	[hbm4b:s0+s2] =	stream.linear.scatter [tilespmem:s19], [sflag:$0x3], $0x6400, $0x38;
	[tilespmem:$0x1C400] =	vst v63  }
0xbe: {  	s0 =	sshra.s32 @!p0 s1, $0x2  }
0xbf: {  	s14 =	simm.s32 @!p0 $0x0;
	s9 =	simm.s32 @!p0 $0x68;
	s1 =	sadd.s32 @!p0 $0x16190, s0  }
0xc0: {  	[tilespmem:s14], [sflag:$0x1] =	stream.indirect.gather @!p0 [hbm4b:s3+s9], $0x80, s1, s9, $0xb8;
	[tilespmem:$0x1C400] =	vst v63  }
0xc1: {  	s0 =	sadd.s32 @!p0 $0x161F8, s0;
	s1 =	simm.s32 @!p0 $0x60;
	s9 =	simm.s32 @!p0 $0x3400  }
0xc2: {  	[tilespmem:s9], [sflag:$0x1] =	stream.indirect.gather @!p0 [hbm4b:s3+s1], $0x80, s0, s1, $0xb8;
	[tilespmem:$0x1C400] =	vst v63  }
0xc3: {  	_ =	swait.ge [sflag:s20], $0x6400  }
0xc4: {  	[sflag:s20] =	ssyncset.done $0x0  }
0xc5: {  	[sflag:s20] =	ssyncadd.s32 $0xFFFF9C00  }
0xc6: {  	_ =	swait.ge [sflag:s21], $0x6400  }
0xc7: {  	[sflag:s21] =	ssyncset.done $0x0  }
0xc8: {  	s31 =	simm.s32 $0x12C80;
	[sflag:s21] =	ssyncadd.s32 $0xFFFF9C00  }
0xc9: {  	s25 =	simm.s32 $0x0;
	v0 =	vld [tilespmem:s31+$0x0]  }
0xca: {  	v1 =	vld [tilespmem:s25+$0x6500];
	_ =	sdelay $0x3  }
0xcb: {  	v2 =	vld [tilespmem:s31+$0xFFFFFF80]  }
0xcc: {  	v0 =	vadd.f32 v0, v1;
	v1 =	vld [tilespmem:s25+$0x6400];
	_ =	sdelay $0x1  }
0xcd: {  	[tilespmem:s25+$0xC900] =	vst v0;
	v0 =	vld [tilespmem:s25+$0x6510]  }
0xce: {  	v3 =	vld [tilespmem:s31+$0x10];
	_ =	sdelay $0x1  }
0xcf: {  	v1 =	vadd.f32 v2, v1;
	_ =	sdelay $0x1  }
0xd0: {  	v4 =	vld [tilespmem:s25+$0x6410];
	[tilespmem:s25+$0xC800] =	vst v1  }
0xd1: {  	v0 =	vadd.f32 v3, v0;
	v1 =	vld [tilespmem:s31+$0xFFFFFF90]  }
0xd2: {  	v5 =	vld [tilespmem:s25+$0x6430]  }
0xd3: {  	[tilespmem:s25+$0xC910] =	vst v0;
	v0 =	vld [tilespmem:s25+$0x6520]  }
0xd4: {  	v3 =	vld [tilespmem:s31+$0x20]  }
0xd5: {  	s28 =	simm.s32 $0x12D80;
	v6 =	vld [tilespmem:s25+$0x6490]  }
0xd6: {  	v7 =	vld [tilespmem:s28+$0x0];
	v1 =	vadd.f32 v1, v4  }
0xd7: {  	v8 =	vld [tilespmem:s25+$0x64A0]  }
0xd8: {  	v2 =	vld [tilespmem:s25+$0x6420];
	[tilespmem:s25+$0xC810] =	vst v1  }
0xd9: {  	s26 =	simm.s32 $0x200;
	v0 =	vadd.f32 v3, v0;
	v1 =	vld [tilespmem:s31+$0xFFFFFFA0]  }
0xda: {  	v10 =	vld [tilespmem:s26+$0x6510]  }
0xdb: {  	[tilespmem:s25+$0xC920] =	vst v0;
	v0 =	vld [tilespmem:s25+$0x6530]  }
0xdc: {  	v3 =	vld [tilespmem:s31+$0x30]  }
0xdd: {  	v12 =	vld [tilespmem:s26+$0x6410]  }
0xde: {  	v1 =	vadd.f32 v1, v2;
	v2 =	vld [tilespmem:s26+$0x6500]  }
0xdf: {  	s29 =	simm.s32 $0x400;
	v13 =	vld [tilespmem:s25+$0x65B0]  }
0xe0: {  	v15 =	vld [tilespmem:s29+$0x6400];
	[tilespmem:s25+$0xC820] =	vst v1  }
0xe1: {  	v0 =	vadd.f32 v3, v0;
	v1 =	vld [tilespmem:s31+$0xFFFFFFB0]  }
0xe2: {  	v3 =	vld [tilespmem:s25+$0x6580]  }
0xe3: {  	[tilespmem:s25+$0xC930] =	vst v0;
	v0 =	vadd.f32 v7, v2;
	v2 =	vld [tilespmem:s26+$0x6400]  }
0xe4: {  	v9 =	vld [tilespmem:s31+$0x40]  }
0xe5: {  	s30 =	simm.s32 $0x12E80;
	v7 =	vld [tilespmem:s28+$0xFFFFFF80]  }
0xe6: {  	v16 =	vld [tilespmem:s30+$0xFFFFFF80];
	[tilespmem:s26+$0xC900] =	vst v0  }
0xe7: {  	v11 =	vld [tilespmem:s28+$0x10]  }
0xe8: {  	v17 =	vld [tilespmem:s29+$0x6410];
	v1 =	vadd.f32 v1, v5  }
0xe9: {  	v4 =	vld [tilespmem:s25+$0x6480];
	v3 =	vadd.f32 v9, v3  }
0xea: {  	v2 =	vadd.f32 v7, v2;
	[tilespmem:s25+$0xC830] =	vst v1;
	v9 =	vld [tilespmem:s25+$0x6590]  }
0xeb: {  	v7 =	vld [tilespmem:s31+$0xFFFFFFC0];
	[tilespmem:s25+$0xC980] =	vst v3  }
0xec: {  	[tilespmem:s26+$0xC800] =	vst v2;
	v2 =	vadd.f32 v11, v10;
	v3 =	vld [tilespmem:s31+$0x50]  }
0xed: {  	v1 =	vld [tilespmem:s28+$0xFFFFFF90]  }
0xee: {  	[tilespmem:s26+$0xC910] =	vst v2;
	v2 =	vld [tilespmem:s26+$0x6520]  }
0xef: {  	v15 =	vadd.f32 v16, v15;
	v10 =	vld [tilespmem:s28+$0x20]  }
0xf0: {  	v61 =	vld [tilespmem:s29+$0x6420]  }
0xf1: {  	v18 =	vld [tilespmem:s26+$0x65A0];
	[tilespmem:s29+$0xC800] =	vst v15;
	v3 =	vadd.f32 v3, v9  }
0xf2: {  	v15 =	vld [tilespmem:s30+$0xFFFFFF90];
	v1 =	vadd.f32 v1, v12  }
0xf3: {  	v0 =	vld [tilespmem:s25+$0x64B0];
	[tilespmem:s25+$0xC990] =	vst v3;
	v3 =	vadd.f32 v7, v4  }
0xf4: {  	v5 =	vld [tilespmem:s26+$0x6420];
	[tilespmem:s26+$0xC810] =	vst v1;
	v2 =	vadd.f32 v10, v2  }
0xf5: {  	v1 =	vld [tilespmem:s28+$0xFFFFFFA0];
	[tilespmem:s25+$0xC880] =	vst v3  }
0xf6: {  	[tilespmem:s26+$0xC920] =	vst v2;
	v2 =	vld [tilespmem:s26+$0x6530]  }
0xf7: {  	v3 =	vld [tilespmem:s31+$0xFFFFFFD0]  }
0xf8: {  	v7 =	vld [tilespmem:s28+$0x30]  }
0xf9: {  	v11 =	vld [tilespmem:s26+$0x6430]  }
0xfa: {  	v12 =	vld [tilespmem:s26+$0x6480]  }
0xfb: {  	v9 =	vld [tilespmem:s25+$0x65A0];
	v5 =	vadd.f32 v1, v5  }
0xfc: {  	v4 =	vld [tilespmem:s31+$0x60];
	v3 =	vadd.f32 v3, v6  }
0xfd: {  	[tilespmem:s26+$0xC820] =	vst v5;
	v5 =	vld [tilespmem:s30+$0x0];
	v2 =	vadd.f32 v7, v2  }
0xfe: {  	[tilespmem:s25+$0xC890] =	vst v3;
	v3 =	vld [tilespmem:s29+$0x6500]  }
0xff: {  	v6 =	vld [tilespmem:s26+$0x6580];
	[tilespmem:s26+$0xC930] =	vst v2  }
0x100: {  	v7 =	vld [tilespmem:s28+$0x40]  }
0x101: {  	v10 =	vld [tilespmem:s26+$0x6490];
	v4 =	vadd.f32 v4, v9  }
0x102: {  	v1 =	vld [tilespmem:s26+$0x64A0]  }
0x103: {  	[tilespmem:s25+$0xC9A0] =	vst v4;
	v4 =	vld [tilespmem:s28+$0xFFFFFFB0];
	v3 =	vadd.f32 v5, v3  }
0x104: {  	v14 =	vld [tilespmem:s31+$0x70]  }
0x105: {  	v5 =	vadd.f32 v7, v6;
	[tilespmem:s29+$0xC900] =	vst v3;
	v3 =	vld [tilespmem:s29+$0x6510]  }
0x106: {  	v6 =	vld [tilespmem:s30+$0x10]  }
0x107: {  	v7 =	vld [tilespmem:s26+$0x6590];
	[tilespmem:s26+$0xC980] =	vst v5  }
0x108: {  	v4 =	vadd.f32 v4, v11;
	v11 =	vld [tilespmem:s28+$0x50]  }
0x109: {  	v2 =	vld [tilespmem:s26+$0x64B0]  }
0x10a: {  	v9 =	vld [tilespmem:s31+$0xFFFFFFE0];
	[tilespmem:s26+$0xC830] =	vst v4  }
0x10b: {  	v3 =	vadd.f32 v6, v3;
	v6 =	vld [tilespmem:s28+$0xFFFFFFC0]  }
0x10c: {  	v4 =	vld [tilespmem:s29+$0x6480]  }
0x10d: {  	v5 =	vld [tilespmem:s29+$0x6430];
	[tilespmem:s29+$0xC910] =	vst v3;
	v3 =	vadd.f32 v11, v7  }
0x10e: {  	v7 =	vld [tilespmem:s29+$0x6520]  }
0x10f: {  	v11 =	vadd.f32 v15, v17;
	v15 =	vld [tilespmem:s30+$0x20];
	[tilespmem:s26+$0xC990] =	vst v3  }
0x110: {  	v6 =	vadd.f32 v6, v12;
	v12 =	vld [tilespmem:s28+$0x60]  }
0x111: {  	[tilespmem:s29+$0xC810] =	vst v11;
	v3 =	vld [tilespmem:s29+$0x6490]  }
0x112: {  	v11 =	vld [tilespmem:s30+$0xFFFFFFA0];
	[tilespmem:s26+$0xC880] =	vst v6  }
0x113: {  	v62 =	vld [tilespmem:s28+$0xFFFFFFD0]  }
0x114: {  	v6 =	vld [tilespmem:s29+$0x64A0];
	v7 =	vadd.f32 v15, v7  }
0x115: {  	v15 =	vld [tilespmem:s29+$0x6530];
	v12 =	vadd.f32 v12, v18  }
0x116: {  	v8 =	vadd.f32 v9, v8;
	[tilespmem:s29+$0xC920] =	vst v7;
	v7 =	vld [tilespmem:s26+$0x65B0]  }
0x117: {  	v11 =	vadd.f32 v11, v61;
	v63 =	vld [tilespmem:s30+$0x30];
	[tilespmem:s26+$0xC9A0] =	vst v12  }
0x118: {  	[tilespmem:s25+$0xC8A0] =	vst v8;
	v8 =	vadd.f32 v62, v10;
	v9 =	vld [tilespmem:s28+$0x70]  }
0x119: {  	[tilespmem:s29+$0xC820] =	vst v11;
	v10 =	vld [tilespmem:s31+$0xFFFFFFF0]  }
0x11a: {  	v13 =	vadd.f32 v14, v13;
	v12 =	vld [tilespmem:s30+$0xFFFFFFB0];
	[tilespmem:s26+$0xC890] =	vst v8  }
0x11b: {  	v11 =	vld [tilespmem:s28+$0xFFFFFFE0]  }
0x11c: {  	s0 =	simm.s32 $0x1000;
	s1 =	simm.s32 $0x4;
	s9 =	simm.s32 $0x12F80;
	[tilespmem:s25+$0xC9B0] =	vst v13;
	v8 =	vld [tilespmem:s29+$0x64B0];
	v13 =	vadd.f32 v63, v15  }
.LBB2_5:
0x11d: {  	v14 =	vld [tilespmem:s9+$0x0];
	s0 =	sadd.s32 $0x800, s0;
	v7 =	vadd.f32 v9, v7  }
0x11e: {  	s14 =	sshra.s32 s0, $0x2;
	[tilespmem:s29+$0xC930] =	vst v13;
	v9 =	vld [tilespmem:s29+$0x6580];
	v10 =	vadd.f32 v10, v0;
	v0 =	vmov v2  }
0x11f: {  	s1 =	sadd.s32 $0x2, s1;
	v13 =	vld [tilespmem:s14+$0x6500];
	v12 =	vadd.f32 v12, v5;
	[tilespmem:s26+$0xC9B0] =	vst v7  }
0x120: {  	p0 =	slt.u32 s1, $0x62;
	v5 =	vld [tilespmem:s30+$0x40];
	v7 =	vadd.f32 v11, v1;
	[tilespmem:s25+$0xC8B0] =	vst v10;
	v1 =	vmov v6;
	s25 =	smov.u32 s26;
	s26 =	smov.u32 s29  }
0x121: {  	s29 =	smov.u32 s14;
	v6 =	vld [tilespmem:s14+$0x6400];
	[tilespmem:s26+$0xC830] =	vst v12;
	v2 =	vmov v8  }
0x122: {  	v8 =	vld [tilespmem:s9+$0xFFFFFF80];
	[tilespmem:s25+$0xC8A0] =	vst v7  }
0x123: {  	v7 =	vld [tilespmem:s29+$0x6410]  }
0x124: {  	v10 =	vld [tilespmem:s29+$0x6420];
	v11 =	vadd.f32 v14, v13  }
0x125: {  	v5 =	vadd.f32 v5, v9;
	v9 =	vld [tilespmem:s26+$0x6590]  }
0x126: {  	[tilespmem:s29+$0xC900] =	vst v11;
	v11 =	vld [tilespmem:s29+$0x6510]  }
0x127: {  	v6 =	vadd.f32 v8, v6;
	v8 =	vld [tilespmem:s9+$0x10];
	[tilespmem:s26+$0xC980] =	vst v5  }
0x128: {  	v12 =	vld [tilespmem:s30+$0x50]  }
0x129: {  	[tilespmem:s29+$0xC800] =	vst v6;
	v5 =	vld [tilespmem:s29+$0x6430]  }
0x12a: {  	v6 =	vld [tilespmem:s9+$0xFFFFFF90]  }
0x12b: {  	v13 =	vld [tilespmem:s30+$0xFFFFFFC0]  }
0x12c: {  	v14 =	vld [tilespmem:s29+$0x6480];
	v8 =	vadd.f32 v8, v11  }
0x12d: {  	v9 =	vadd.f32 v12, v9;
	v11 =	vld [tilespmem:s26+$0x65A0]  }
0x12e: {  	[tilespmem:s29+$0xC910] =	vst v8;
	v8 =	vld [tilespmem:s29+$0x6520]  }
0x12f: {  	v6 =	vadd.f32 v6, v7;
	v7 =	vld [tilespmem:s9+$0x20];
	[tilespmem:s26+$0xC990] =	vst v9  }
0x130: {  	v9 =	vadd.f32 v13, v4;
	v12 =	vld [tilespmem:s30+$0x60]  }
0x131: {  	[tilespmem:s29+$0xC810] =	vst v6;
	v13 =	vld [tilespmem:s29+$0x6490];
	v4 =	vmov v14  }
0x132: {  	v14 =	vld [tilespmem:s9+$0xFFFFFFA0];
	[tilespmem:s26+$0xC880] =	vst v9  }
0x133: {  	v9 =	vld [tilespmem:s30+$0xFFFFFFD0]  }
0x134: {  	v6 =	vld [tilespmem:s29+$0x64A0];
	v8 =	vadd.f32 v7, v8  }
0x135: {  	v11 =	vadd.f32 v12, v11;
	v7 =	vld [tilespmem:s26+$0x65B0]  }
0x136: {  	[tilespmem:s29+$0xC920] =	vst v8;
	v15 =	vld [tilespmem:s29+$0x6530]  }
0x137: {  	v8 =	vadd.f32 v14, v10;
	v14 =	vld [tilespmem:s9+$0x30];
	[tilespmem:s26+$0xC9A0] =	vst v11  }
.Ltmp1:
0x138: {  	v11 =	vadd.f32 v9, v3;
	v9 =	vld [tilespmem:s30+$0x70];
	v3 =	vmov v13;
	(pc) =	sbr.rel @p0 .LBB2_5-.Ltmp1, $4  }
0x139: {  	[tilespmem:s29+$0xC820] =	vst v8;
	v10 =	vld [tilespmem:s28+$0xFFFFFFF0];
	s28 =	smov.u32 s30;
	s30 =	smov.u32 s9  }
0x13a: {  	v12 =	vld [tilespmem:s9+$0xFFFFFFB0];
	[tilespmem:s26+$0xC890] =	vst v11  }
0x13b: {  	v11 =	vld [tilespmem:s28+$0xFFFFFFE0]  }
0x13c: {  	s9 =	sadd.s32 $0x100, s9;
	v8 =	vld [tilespmem:s29+$0x64B0];
	v13 =	vadd.f32 v14, v15  }
0x13d: {  	_ =	sdelay $0x1  }
0x13e: {  	v5 =	vadd.f32 v12, v5  }
0x13f: {  	v52 =	vld [tilespmem:s29+$0x6580];
	[tilespmem:s29+$0xC930] =	vst v13  }
0x140: {  	v53 =	vld [tilespmem:s30+$0x40];
	[tilespmem:s29+$0xC830] =	vst v5  }
0x141: {  	v5 =	vld [tilespmem:s30+$0xFFFFFFC0];
	_ =	sdelay $0x3  }
0x142: {  	v12 =	vadd.f32 v53, v52  }
0x143: {  	v4 =	vadd.f32 v5, v4  }
0x144: {  	v54 =	vld [tilespmem:s29+$0x6590];
	[tilespmem:s29+$0xC980] =	vst v12  }
0x145: {  	v55 =	vld [tilespmem:s30+$0x50];
	[tilespmem:s29+$0xC880] =	vst v4  }
0x146: {  	v4 =	vld [tilespmem:s30+$0xFFFFFFD0];
	_ =	sdelay $0x3  }
0x147: {  	v5 =	vadd.f32 v55, v54  }
0x148: {  	v3 =	vadd.f32 v4, v3  }
0x149: {  	v56 =	vld [tilespmem:s29+$0x65A0];
	[tilespmem:s29+$0xC990] =	vst v5  }
0x14a: {  	v57 =	vld [tilespmem:s30+$0x60];
	[tilespmem:s29+$0xC890] =	vst v3  }
0x14b: {  	v3 =	vld [tilespmem:s30+$0xFFFFFFE0];
	_ =	sdelay $0x2  }
0x14c: {  	v1 =	vadd.f32 v11, v1  }
0x14d: {  	v4 =	vadd.f32 v57, v56  }
0x14e: {  	v58 =	vld [tilespmem:s29+$0x65B0];
	[tilespmem:s26+$0xC8A0] =	vst v1;
	v3 =	vadd.f32 v3, v6  }
0x14f: {  	v60 =	vld [tilespmem:s28+$0xFFFFFFF0];
	[tilespmem:s29+$0xC9A0] =	vst v4  }
0x150: {  	v59 =	vld [tilespmem:s30+$0x70];
	[tilespmem:s29+$0xC8A0] =	vst v3  }
0x151: {  	v3 =	vld [tilespmem:s30+$0xFFFFFFF0]  }
0x152: {  	v61 =	vadd.f32 v9, v7  }
0x153: {  	s23 =	sadd.s32 $0x1, s23;
	v0 =	vadd.f32 v10, v0  }
0x154: {  	p0 =	sne.s32 s23, $0x40;
	[tilespmem:s26+$0xC9B0] =	vst v61;
	v62 =	vadd.f32 v60, v2  }
.Ltmp2:
0x155: {  	s0 =	sadd.s32 s6, s24;
	[tilespmem:s25+$0xC8B0] =	vst v0;
	v1 =	vadd.f32 v59, v58;
	(pc) =	sbr.rel @p0 .LBB2_2-.Ltmp2, $4  }
0x156: {  	s0 =	smul.u32 $0xC80, s0;
	[tilespmem:s26+$0xC8B0] =	vst v62;
	v63 =	vadd.f32 v3, v8  }
0x157: {  	[tilespmem:s29+$0xC9B0] =	vst v1  }
0x158: {  	s0 =	sadd.s32 s5, s0;
	[tilespmem:s29+$0xC8B0] =	vst v63  }
0x159: {  	[hbm4b:s0+s2] =	stream.linear.scatter [tilespmem:s19], [sflag:$0x3], $0x6400, $0x38;
	[tilespmem:$0x1C400] =	vst v63  }
0x15a: {  	s22 =	sadd.s32 $0x1, s22  }
0x15b: {  	p0 =	sne.s32 s22, s8  }
.Ltmp3:
0x15c: {  	_ = 	snop;
	(pc) =	sbr.rel @p0 .LBB2_1-.Ltmp3, $4  }
0x15d: {  	_ = 	snop  }
0x15e: {  	_ =	swait.ge [sflag:s21], $0x6400  }
0x15f: {  	[sflag:s21] =	ssyncset.done $0x0  }
0x160: {  	[sflag:s21] =	ssyncadd.s32 $0xFFFF9C00  }
0x161: {  	_ =	sfence.sel $0x180000  }
0x162: {  	[bflag:$0x0] =	sbarrier.arrive $0xFFFF  }
0x163: {  	_ =	strace $0x90000047  }
0x164: {  	s0 =	stileid.u32;
	[bflag:$0x2] =	sbarrier.arrive $0xFFFF  }
0x165: {  	p0 =	sne.s32 s0, $0x0;
	s0 =	rddreg [dreg:$0x2]  }
0x166: {  	s0 =	sadd.s32 @!p0 $0x100000, s0  }
0x167: {  	[sflag:s0] =	ssyncadd.tile.s32 @!p0 $0x1;
	_ =	shalt  }
.Lfunc_end2:
_tile_overlayer_lowered:
.L_overlay_start_2:
0x168: {  	(tag) =	ssettag $0x2  }
0x169: {  	s0 =	rddreg [dreg:$0x0];
	s2 =	stileid.u32  }
0x16a: {  	s1 =	rddreg [dreg:$0x1];
	p0 =	sne.s32 s2, $0x0  }
0x16b: {  	s3 =	rddreg [dreg:$0x2];
	[bflag:$0x3] =	sbarrier.arrive $0xFFFF;
	s2 =	simm.s32 @!p0 $0x1C04  }
0x16c: {  	[timem:s3], [sflag:s2] =	dma.local @!p0 [hbm:s0], s1  }
0x16d: {  	s0 =	simm.s32 @!p0 $0x4  }
0x16e: {  	_ =	swait.ge @!p0 [sflag:s0], s1  }
0x16f: {  	s1 =	ssub.s32 @!p0 $0x0, s1;
	[sflag:s0] =	ssyncset.done @!p0 $0x0  }
0x170: {  	[sflag:s0] =	ssyncadd.s32 @!p0 s1  }
0x171: {  	[bflag:$0x3] =	sbarrier.arrive $0xFFFF  }
0x172: {  	_ =	shalt  }

</sc_bundles>
